<compile_context>
chip_gen: v7x
topology: tpu7x:2x2x1
jax: 0.10.2.dev20260603
libtpu: 0.0.44.dev20260713+nightly
codegen_flags: <defaults>
</compile_context>

<pallas_src>
import functools

import jax
import jax.numpy as jnp
from jax import lax
from jax.experimental import pallas as pl
from jax.experimental.pallas import tpu as pltpu
from jax.experimental.pallas import tpu_sc as plsc

VOCAB_SIZE = 8192
NUM_TOKENS = 4096
NC, NS, L = 2, 16, 16
NW = NC * NS
TOK_PER_W = NUM_TOKENS // NW
R = 2
NBUF = 4
LOOK = 2
CHUNKS = TOK_PER_W // R
UNROLL = 8


def _sc_body(table_hbm, idx_hbm, tgt_hbm, out_hbm, ssum_hbm, stgt_hbm,
             idx_v, tgt_v, buf, ssum_v, stgt_v, gsem, ssem):
    wid = lax.axis_index("s") * NC + lax.axis_index("c")
    wbase = wid * TOK_PER_W

    iota = lax.iota(jnp.int32, L)

    def gather_chunk(g, slot):
        return pltpu.make_async_copy(
            table_hbm.at[idx_v.at[g]], buf.at[slot], gsem.at[slot]
        )

    def scatter_chunk(g, slot):
        return pltpu.make_async_copy(
            buf.at[slot], out_hbm.at[pl.ds(wbase + g * R, R)], ssem.at[slot]
        )

    pltpu.sync_copy(idx_hbm.at[wid], idx_v)
    pltpu.sync_copy(tgt_hbm.at[wid], tgt_v)

    for p in range(LOOK):
        gather_chunk(p, p).start()

    def chunk_body(c, _):
        slot = lax.rem(c, NBUF)

        gather_chunk(c, slot).wait()
        scatter_chunk(c, slot).start()

        g = c + LOOK
        slot2 = lax.rem(g, NBUF)

        @pl.when(g < CHUNKS)
        def _():
            @pl.when(g >= NBUF)
            def _():
                scatter_chunk(g - NBUF, slot2).wait()

            gather_chunk(g, slot2).start()

        tgt16 = tgt_v[c]

        for r in range(R):
            row = buf.at[slot, r]

            def body(k, acc):
                base = k * (UNROLL * L)
                for u in range(UNROLL):
                    acc = acc + jnp.exp(row[pl.ds(base + u * L, L)])
                return acc

            acc = lax.fori_loop(
                0, VOCAB_SIZE // (UNROLL * L), body, jnp.zeros((L,), jnp.float32)
            )
            ssum_v[pl.ds((c * R + r) * L, L)] = acc

            t = tgt16[r]
            t_base = (t // L) * L
            vec = row[pl.ds(t_base, L)]
            stgt_v[pl.ds((c * R + r) * L, L)] = jnp.where(iota == t - t_base, vec, 0.0)

        return 0

    lax.fori_loop(0, CHUNKS, chunk_body, 0)

    for s in range(NBUF):
        g = CHUNKS - NBUF + s
        scatter_chunk(g, g % NBUF).wait()

    pltpu.sync_copy(ssum_v, ssum_hbm.at[wid])
    pltpu.sync_copy(stgt_v, stgt_hbm.at[wid])


def _finalize_body(ssum_ref, stgt_ref, loss_ref):
    sums = ssum_ref[...].reshape(NUM_TOKENS // 128, 128, L).sum(axis=-1)
    tgts = stgt_ref[...].reshape(NUM_TOKENS // 128, 128, L).sum(axis=-1)
    loss_ref[...] = jnp.broadcast_to(jnp.mean(jnp.log(sums) - tgts), (1, 1))


@jax.jit
def _bigram_forward(table, idx_flat, tgt_flat):
    mesh = plsc.VectorSubcoreMesh(core_axis_name="c", subcore_axis_name="s")
    sc_call = functools.partial(
        pl.kernel,
        mesh=mesh,
        out_type=[
            jax.ShapeDtypeStruct((NUM_TOKENS, VOCAB_SIZE), jnp.float32),
            jax.ShapeDtypeStruct((NW, TOK_PER_W * L), jnp.float32),
            jax.ShapeDtypeStruct((NW, TOK_PER_W * L), jnp.float32),
        ],
        scratch_types=[
            pltpu.VMEM((CHUNKS, R), jnp.int32),
            pltpu.VMEM((CHUNKS, L), jnp.int32),
            pltpu.VMEM((NBUF, R, VOCAB_SIZE), jnp.float32),
            pltpu.VMEM((TOK_PER_W * L,), jnp.float32),
            pltpu.VMEM((TOK_PER_W * L,), jnp.float32),
            pltpu.SemaphoreType.DMA((NBUF,)),
            pltpu.SemaphoreType.DMA((NBUF,)),
        ],
    )(_sc_body)
    tgt_pad = jnp.pad(
        tgt_flat.reshape(NW, CHUNKS, R), ((0, 0), (0, 0), (0, L - R))
    )
    logits, ssum, stgt = sc_call(
        table,
        idx_flat.reshape(NW, CHUNKS, R),
        tgt_pad,
    )
    loss = pl.pallas_call(
        _finalize_body,
        out_shape=jax.ShapeDtypeStruct((1, 1), jnp.float32),
    )(ssum, stgt)
    return logits, loss[0, 0]


def kernel(table, idx, targets):
    B, T = idx.shape
    idx_flat = idx.reshape(-1).astype(jnp.int32)
    tgt_flat = targets.reshape(-1).astype(jnp.int32)
    logits, loss = _bigram_forward(table, idx_flat, tgt_flat)
    return logits.reshape(B, T, VOCAB_SIZE), loss

# --- scband reference (transcript-rebuilt; emitter-appended) ---
"""Pipeline reference for scband-bigram-model-56221121904831 (READ-ONLY COPY).

The authoritative reference and input builder live on the scoring server;
editing this copy changes nothing except your own understanding.
"""

import jax, jax.numpy as jnp
import numpy as np

VOCAB = 8192
B, T = 8, 512

def setup_inputs(seed: int = 0) -> dict:
    key = jax.random.key(seed)
    k1, k2, k3 = jax.random.split(key, 3)
    idx = jax.random.randint(k1, (B, T), 0, VOCAB, dtype=jnp.int64) if jax.config.jax_enable_x64 else jax.random.randint(k1, (B, T), 0, VOCAB, dtype=jnp.int32)
    targets = jax.random.randint(k2, (B, T), 0, VOCAB, dtype=jnp.int32)
    table = jax.random.normal(k3, (VOCAB, VOCAB), dtype=jnp.float32) * 0.02
    return {"table": table, "idx": idx, "targets": targets}

def reference(table, idx, targets):
    # logits = self.table(idx)  -> embedding gather
    logits = jnp.take(table, idx, axis=0)  # [B, T, VOCAB]
    Bv, Tv, C = logits.shape
    flat_logits = logits.reshape(Bv * Tv, C)
    flat_targets = targets.reshape(Bv * Tv)
    # F.cross_entropy = mean over batch of -log_softmax at target index
    logp = jax.nn.log_softmax(flat_logits, axis=-1)
    nll = -jnp.take_along_axis(logp, flat_targets[:, None], axis=1)[:, 0]
    loss = jnp.mean(nll)
    return (logits, loss)

if __name__ == "__main__":
    import jax
    _d = setup_inputs()
    print(jax.jit(kernel)(*tuple(_d.values())))

</pallas_src>

<mosaic_0001>
#map = affine_map<(d0, d1) -> (0, 0)>
#map1 = affine_map<(d0, d1) -> (0, 0, 0)>
module attributes {stable_mosaic.version = 14 : i64} {
  func.func @_sc_body(%arg0: i32, %arg1: i32, %arg2: memref<8192x8192xf32, #tpu.memory_space<hbm>>, %arg3: memref<32x64x2xi32, #tpu.memory_space<hbm>>, %arg4: memref<32x64x16xi32, #tpu.memory_space<hbm>>, %arg5: memref<4096x8192xf32, #tpu.memory_space<hbm>>, %arg6: memref<32x2048xf32, #tpu.memory_space<hbm>>, %arg7: memref<32x2048xf32, #tpu.memory_space<hbm>>, %arg8: memref<64x2xi32, #tpu.memory_space<vmem>>, %arg9: memref<64x16xi32, #tpu.memory_space<vmem>>, %arg10: memref<4x2x8192xf32, #tpu.memory_space<vmem>>, %arg11: memref<2048xf32, #tpu.memory_space<vmem>>, %arg12: memref<2048xf32, #tpu.memory_space<vmem>>, %arg13: memref<4x!tpu.dma_semaphore, #tpu.memory_space<semaphore_mem>>, %arg14: memref<4x!tpu.dma_semaphore, #tpu.memory_space<semaphore_mem>>) attributes {dimension_semantics = [#tpu.dimension_semantics<core_parallel>, #tpu.dimension_semantics<subcore_parallel>], iteration_bounds = array<i64: 2, 16>, scalar_prefetch = 0 : i64, scratch_operands = 7 : i64, tpu.core_type = #tpu.core_type<sc_vector_subcore>, window_params = [{transform_indices = #map}, {transform_indices = #map1}, {transform_indices = #map1}, {transform_indices = #map}, {transform_indices = #map}, {transform_indices = #map}]} {
    %mul3A = arith.constant 2 : i32
    %mul3A_0 = arith.muli %arg1, %mul3A : i32
    %add3A = arith.addi %mul3A_0, %arg0 : i32
    %mul3A_1 = arith.constant 128 : i32
    %mul3A_2 = arith.muli %add3A, %mul3A_1 : i32
    %iota3A = tpu.iota {dimensions = array<i32: 0>} : vector<16xi32>
    "tpu.region"() ({
      %run_scoped3A = tpu.sem_alloc : memref<!tpu.dma_semaphore, #tpu.memory_space<semaphore_mem>>
      %dma_start3A_109 = arith.constant 0 : i32
      %dma_start3A_110 = arith.constant 0 : i32
      %dma_start3A_111 = tpu.memref_slice %arg3[%add3A, %dma_start3A_109, %dma_start3A_110] : memref<32x64x2xi32, #tpu.memory_space<hbm>> -> memref<1x64x2xi32, #tpu.memory_space<hbm>>
      %dma_start3A_112 = tpu.memref_squeeze %dma_start3A_111 : memref<1x64x2xi32, #tpu.memory_space<hbm>> -> memref<64x2xi32, #tpu.memory_space<hbm>>
      %dma_start3A_113 = arith.constant 0 : i32
      %dma_start3A_114 = arith.constant 0 : i32
      %dma_start3A_115 = tpu.memref_slice %arg3[%add3A, %dma_start3A_113, %dma_start3A_114] : memref<32x64x2xi32, #tpu.memory_space<hbm>> -> memref<1x64x2xi32, #tpu.memory_space<hbm>>
      %dma_start3A_116 = tpu.memref_squeeze %dma_start3A_115 : memref<1x64x2xi32, #tpu.memory_space<hbm>> -> memref<64x2xi32, #tpu.memory_space<hbm>>
      tpu.enqueue_dma source(%dma_start3A_116 : memref<64x2xi32, #tpu.memory_space<hbm>>) target(%arg8 : memref<64x2xi32, #tpu.memory_space<vmem>>) target_semaphore(%run_scoped3A : memref<!tpu.dma_semaphore, #tpu.memory_space<semaphore_mem>>)
      %dma_wait3A_117 = arith.constant 0 : i32
      %dma_wait3A_118 = arith.constant 0 : i32
      %dma_wait3A_119 = tpu.memref_slice %arg3[%add3A, %dma_wait3A_117, %dma_wait3A_118] : memref<32x64x2xi32, #tpu.memory_space<hbm>> -> memref<1x64x2xi32, #tpu.memory_space<hbm>>
      %dma_wait3A_120 = tpu.memref_squeeze %dma_wait3A_119 : memref<1x64x2xi32, #tpu.memory_space<hbm>> -> memref<64x2xi32, #tpu.memory_space<hbm>>
      %dma_wait3A_121 = arith.constant 0 : i32
      %dma_wait3A_122 = arith.constant 0 : i32
      %dma_wait3A_123 = tpu.memref_slice %arg3[%add3A, %dma_wait3A_121, %dma_wait3A_122] : memref<32x64x2xi32, #tpu.memory_space<hbm>> -> memref<1x64x2xi32, #tpu.memory_space<hbm>>
      %dma_wait3A_124 = tpu.memref_squeeze %dma_wait3A_123 : memref<1x64x2xi32, #tpu.memory_space<hbm>> -> memref<64x2xi32, #tpu.memory_space<hbm>>
      tpu.wait_dma2 semaphore(%run_scoped3A : memref<!tpu.dma_semaphore, #tpu.memory_space<semaphore_mem>>) src(%dma_wait3A_124 : memref<64x2xi32, #tpu.memory_space<hbm>>) dst(%arg8 : memref<64x2xi32, #tpu.memory_space<vmem>>)
      tpu.yield
    }) : () -> ()
    "tpu.region"() ({
      %run_scoped3A = tpu.sem_alloc : memref<!tpu.dma_semaphore, #tpu.memory_space<semaphore_mem>>
      %dma_start3A_109 = arith.constant 0 : i32
      %dma_start3A_110 = arith.constant 0 : i32
      %dma_start3A_111 = tpu.memref_slice %arg4[%add3A, %dma_start3A_109, %dma_start3A_110] : memref<32x64x16xi32, #tpu.memory_space<hbm>> -> memref<1x64x16xi32, #tpu.memory_space<hbm>>
      %dma_start3A_112 = tpu.memref_squeeze %dma_start3A_111 : memref<1x64x16xi32, #tpu.memory_space<hbm>> -> memref<64x16xi32, #tpu.memory_space<hbm>>
      %dma_start3A_113 = arith.constant 0 : i32
      %dma_start3A_114 = arith.constant 0 : i32
      %dma_start3A_115 = tpu.memref_slice %arg4[%add3A, %dma_start3A_113, %dma_start3A_114] : memref<32x64x16xi32, #tpu.memory_space<hbm>> -> memref<1x64x16xi32, #tpu.memory_space<hbm>>
      %dma_start3A_116 = tpu.memref_squeeze %dma_start3A_115 : memref<1x64x16xi32, #tpu.memory_space<hbm>> -> memref<64x16xi32, #tpu.memory_space<hbm>>
      tpu.enqueue_dma source(%dma_start3A_116 : memref<64x16xi32, #tpu.memory_space<hbm>>) target(%arg9 : memref<64x16xi32, #tpu.memory_space<vmem>>) target_semaphore(%run_scoped3A : memref<!tpu.dma_semaphore, #tpu.memory_space<semaphore_mem>>)
      %dma_wait3A_117 = arith.constant 0 : i32
      %dma_wait3A_118 = arith.constant 0 : i32
      %dma_wait3A_119 = tpu.memref_slice %arg4[%add3A, %dma_wait3A_117, %dma_wait3A_118] : memref<32x64x16xi32, #tpu.memory_space<hbm>> -> memref<1x64x16xi32, #tpu.memory_space<hbm>>
      %dma_wait3A_120 = tpu.memref_squeeze %dma_wait3A_119 : memref<1x64x16xi32, #tpu.memory_space<hbm>> -> memref<64x16xi32, #tpu.memory_space<hbm>>
      %dma_wait3A_121 = arith.constant 0 : i32
      %dma_wait3A_122 = arith.constant 0 : i32
      %dma_wait3A_123 = tpu.memref_slice %arg4[%add3A, %dma_wait3A_121, %dma_wait3A_122] : memref<32x64x16xi32, #tpu.memory_space<hbm>> -> memref<1x64x16xi32, #tpu.memory_space<hbm>>
      %dma_wait3A_124 = tpu.memref_squeeze %dma_wait3A_123 : memref<1x64x16xi32, #tpu.memory_space<hbm>> -> memref<64x16xi32, #tpu.memory_space<hbm>>
      tpu.wait_dma2 semaphore(%run_scoped3A : memref<!tpu.dma_semaphore, #tpu.memory_space<semaphore_mem>>) src(%dma_wait3A_124 : memref<64x16xi32, #tpu.memory_space<hbm>>) dst(%arg9 : memref<64x16xi32, #tpu.memory_space<vmem>>)
      tpu.yield
    }) : () -> ()
    %dma_start3A = arith.constant 0 : i32
    %dma_start3A_3 = arith.constant 0 : i32
    %dma_start3A_4 = arith.constant 0 : i32
    %dma_start3A_5 = arith.constant 0 : i32
    %dma_start3A_6 = arith.constant 0 : i32
    %dma_start3A_7 = tpu.memref_slice %arg10[%dma_start3A_3, %dma_start3A_5, %dma_start3A_6] : memref<4x2x8192xf32, #tpu.memory_space<vmem>> -> memref<1x2x8192xf32, #tpu.memory_space<vmem>>
    %dma_start3A_8 = tpu.memref_squeeze %dma_start3A_7 : memref<1x2x8192xf32, #tpu.memory_space<vmem>> -> memref<2x8192xf32, #tpu.memory_space<vmem>>
    %dma_start3A_9 = arith.constant 0 : i32
    %dma_start3A_10 = tpu.memref_slice %arg8[%dma_start3A, %dma_start3A_9] : memref<64x2xi32, #tpu.memory_space<vmem>> -> memref<1x2xi32, #tpu.memory_space<vmem>>
    %dma_start3A_11 = tpu.memref_squeeze %dma_start3A_10 : memref<1x2xi32, #tpu.memory_space<vmem>> -> memref<2xi32, #tpu.memory_space<vmem>>
    %dma_start3A_12 = arith.constant 0 : i32
    %dma_start3A_13 = arith.constant 0 : i32
    %dma_start3A_14 = tpu.memref_slice %arg2[%dma_start3A_12, %dma_start3A_13] : memref<8192x8192xf32, #tpu.memory_space<hbm>> -> memref<8192x8192xf32, #tpu.memory_space<hbm>>
    %dma_start3A_15 = tpu.memref_slice %arg13[%dma_start3A_4] : memref<4x!tpu.dma_semaphore, #tpu.memory_space<semaphore_mem>> -> memref<1x!tpu.dma_semaphore, #tpu.memory_space<semaphore_mem>>
    %dma_start3A_16 = tpu.memref_squeeze %dma_start3A_15 : memref<1x!tpu.dma_semaphore, #tpu.memory_space<semaphore_mem>> -> memref<!tpu.dma_semaphore, #tpu.memory_space<semaphore_mem>>
    tpu.enqueue_indirect_dma source(%dma_start3A_14 : memref<8192x8192xf32, #tpu.memory_space<hbm>>) target(%dma_start3A_8 : memref<2x8192xf32, #tpu.memory_space<vmem>>) offsets(%dma_start3A_11 : memref<2xi32, #tpu.memory_space<vmem>>) semaphore(%dma_start3A_16 : memref<!tpu.dma_semaphore, #tpu.memory_space<semaphore_mem>>)
    %dma_start3A_17 = arith.constant 1 : i32
    %dma_start3A_18 = arith.constant 1 : i32
    %dma_start3A_19 = arith.constant 1 : i32
    %dma_start3A_20 = arith.constant 0 : i32
    %dma_start3A_21 = arith.constant 0 : i32
    %dma_start3A_22 = tpu.memref_slice %arg10[%dma_start3A_18, %dma_start3A_20, %dma_start3A_21] : memref<4x2x8192xf32, #tpu.memory_space<vmem>> -> memref<1x2x8192xf32, #tpu.memory_space<vmem>>
    %dma_start3A_23 = tpu.memref_squeeze %dma_start3A_22 : memref<1x2x8192xf32, #tpu.memory_space<vmem>> -> memref<2x8192xf32, #tpu.memory_space<vmem>>
    %dma_start3A_24 = arith.constant 0 : i32
    %dma_start3A_25 = tpu.memref_slice %arg8[%dma_start3A_17, %dma_start3A_24] : memref<64x2xi32, #tpu.memory_space<vmem>> -> memref<1x2xi32, #tpu.memory_space<vmem>>
    %dma_start3A_26 = tpu.memref_squeeze %dma_start3A_25 : memref<1x2xi32, #tpu.memory_space<vmem>> -> memref<2xi32, #tpu.memory_space<vmem>>
    %dma_start3A_27 = arith.constant 0 : i32
    %dma_start3A_28 = arith.constant 0 : i32
    %dma_start3A_29 = tpu.memref_slice %arg2[%dma_start3A_27, %dma_start3A_28] : memref<8192x8192xf32, #tpu.memory_space<hbm>> -> memref<8192x8192xf32, #tpu.memory_space<hbm>>
    %dma_start3A_30 = tpu.memref_slice %arg13[%dma_start3A_19] : memref<4x!tpu.dma_semaphore, #tpu.memory_space<semaphore_mem>> -> memref<1x!tpu.dma_semaphore, #tpu.memory_space<semaphore_mem>>
    %dma_start3A_31 = tpu.memref_squeeze %dma_start3A_30 : memref<1x!tpu.dma_semaphore, #tpu.memory_space<semaphore_mem>> -> memref<!tpu.dma_semaphore, #tpu.memory_space<semaphore_mem>>
    tpu.enqueue_indirect_dma source(%dma_start3A_29 : memref<8192x8192xf32, #tpu.memory_space<hbm>>) target(%dma_start3A_23 : memref<2x8192xf32, #tpu.memory_space<vmem>>) offsets(%dma_start3A_26 : memref<2xi32, #tpu.memory_space<vmem>>) semaphore(%dma_start3A_31 : memref<!tpu.dma_semaphore, #tpu.memory_space<semaphore_mem>>)
    %scan3A = arith.constant 0 : i32
    %scan3A_32 = arith.constant 0 : i32
    %scan3A_33 = arith.constant 64 : i32
    %scan3A_34 = arith.addi %scan3A_32, %scan3A_33 : i32
    %scan3A_35 = arith.constant 1 : i32
    %scan3A_36 = scf.for %scan3A_109 = %scan3A_32 to %scan3A_34 step %scan3A_35 iter_args(%scan3A_110 = %scan3A) -> (i32)  : i32 {
      %rem3A = arith.constant 4 : i32
      %rem3A_111 = arith.remsi %scan3A_109, %rem3A : i32
      %dma_wait3A_112 = arith.constant 0 : i32
      %dma_wait3A_113 = arith.constant 0 : i32
      %dma_wait3A_114 = tpu.memref_slice %arg10[%rem3A_111, %dma_wait3A_112, %dma_wait3A_113] : memref<4x2x8192xf32, #tpu.memory_space<vmem>> -> memref<1x2x8192xf32, #tpu.memory_space<vmem>>
      %dma_wait3A_115 = tpu.memref_squeeze %dma_wait3A_114 : memref<1x2x8192xf32, #tpu.memory_space<vmem>> -> memref<2x8192xf32, #tpu.memory_space<vmem>>
      %dma_wait3A_116 = arith.constant 0 : i32
      %dma_wait3A_117 = tpu.memref_slice %arg8[%scan3A_109, %dma_wait3A_116] : memref<64x2xi32, #tpu.memory_space<vmem>> -> memref<1x2xi32, #tpu.memory_space<vmem>>
      %dma_wait3A_118 = tpu.memref_squeeze %dma_wait3A_117 : memref<1x2xi32, #tpu.memory_space<vmem>> -> memref<2xi32, #tpu.memory_space<vmem>>
      %dma_wait3A_119 = arith.constant 0 : i32
      %dma_wait3A_120 = arith.constant 0 : i32
      %dma_wait3A_121 = tpu.memref_slice %arg2[%dma_wait3A_119, %dma_wait3A_120] : memref<8192x8192xf32, #tpu.memory_space<hbm>> -> memref<8192x8192xf32, #tpu.memory_space<hbm>>
      %dma_wait3A_122 = tpu.memref_slice %arg13[%rem3A_111] : memref<4x!tpu.dma_semaphore, #tpu.memory_space<semaphore_mem>> -> memref<1x!tpu.dma_semaphore, #tpu.memory_space<semaphore_mem>>
      %dma_wait3A_123 = tpu.memref_squeeze %dma_wait3A_122 : memref<1x!tpu.dma_semaphore, #tpu.memory_space<semaphore_mem>> -> memref<!tpu.dma_semaphore, #tpu.memory_space<semaphore_mem>>
      tpu.wait_indirect_dma semaphore(%dma_wait3A_123 : memref<!tpu.dma_semaphore, #tpu.memory_space<semaphore_mem>>) src(%dma_wait3A_121 : memref<8192x8192xf32, #tpu.memory_space<hbm>>) dst(%dma_wait3A_115 : memref<2x8192xf32, #tpu.memory_space<vmem>>)
      %mul3A_124 = arith.constant 2 : i32
      %mul3A_125 = arith.muli %scan3A_109, %mul3A_124 : i32
      %add3A_126 = arith.addi %mul3A_2, %mul3A_125 : i32
      %dma_start3A_127 = arith.constant 0 : i32
      %dma_start3A_128 = arith.constant 0 : i32
      %dma_start3A_129 = tpu.memref_slice %arg10[%rem3A_111, %dma_start3A_127, %dma_start3A_128] : memref<4x2x8192xf32, #tpu.memory_space<vmem>> -> memref<1x2x8192xf32, #tpu.memory_space<vmem>>
      %dma_start3A_130 = tpu.memref_squeeze %dma_start3A_129 : memref<1x2x8192xf32, #tpu.memory_space<vmem>> -> memref<2x8192xf32, #tpu.memory_space<vmem>>
      %dma_start3A_131 = arith.constant 0 : i32
      %dma_start3A_132 = tpu.memref_slice %arg5[%add3A_126, %dma_start3A_131] : memref<4096x8192xf32, #tpu.memory_space<hbm>> -> memref<2x8192xf32, #tpu.memory_space<hbm>>
      %dma_start3A_133 = tpu.memref_slice %arg14[%rem3A_111] : memref<4x!tpu.dma_semaphore, #tpu.memory_space<semaphore_mem>> -> memref<1x!tpu.dma_semaphore, #tpu.memory_space<semaphore_mem>>
      %dma_start3A_134 = tpu.memref_squeeze %dma_start3A_133 : memref<1x!tpu.dma_semaphore, #tpu.memory_space<semaphore_mem>> -> memref<!tpu.dma_semaphore, #tpu.memory_space<semaphore_mem>>
      %dma_start3A_135 = arith.constant 0 : i32
      %dma_start3A_136 = tpu.memref_slice %arg5[%add3A_126, %dma_start3A_135] : memref<4096x8192xf32, #tpu.memory_space<hbm>> -> memref<2x8192xf32, #tpu.memory_space<hbm>>
      %dma_start3A_137 = arith.constant 0 : i32
      %dma_start3A_138 = arith.constant 0 : i32
      %dma_start3A_139 = tpu.memref_slice %arg10[%rem3A_111, %dma_start3A_137, %dma_start3A_138] : memref<4x2x8192xf32, #tpu.memory_space<vmem>> -> memref<1x2x8192xf32, #tpu.memory_space<vmem>>
      %dma_start3A_140 = tpu.memref_squeeze %dma_start3A_139 : memref<1x2x8192xf32, #tpu.memory_space<vmem>> -> memref<2x8192xf32, #tpu.memory_space<vmem>>
      tpu.enqueue_dma source(%dma_start3A_140 : memref<2x8192xf32, #tpu.memory_space<vmem>>) target(%dma_start3A_136 : memref<2x8192xf32, #tpu.memory_space<hbm>>) target_semaphore(%dma_start3A_134 : memref<!tpu.dma_semaphore, #tpu.memory_space<semaphore_mem>>)
      %add3A_141 = arith.constant 2 : i32
      %add3A_142 = arith.addi %scan3A_109, %add3A_141 : i32
      %rem3A_143 = arith.constant 4 : i32
      %rem3A_144 = arith.remsi %add3A_142, %rem3A_143 : i32
      %lt3A = arith.constant 64 : i32
      %lt3A_145 = arith.cmpi slt, %add3A_142, %lt3A : i32
      %convert_element_type3A = arith.extui %lt3A_145 : i1 to i32
      %cond3A = arith.constant 0 : i32
      %cond3A_146 = arith.cmpi ne, %convert_element_type3A, %cond3A : i32
      scf.if %cond3A_146 {
        %ge3A = arith.constant 4 : i32
        %ge3A_279 = arith.cmpi sge, %add3A_142, %ge3A : i32
        %convert_element_type3A_280 = arith.extui %ge3A_279 : i1 to i32
        %cond3A_281 = arith.constant 0 : i32
        %cond3A_282 = arith.cmpi ne, %convert_element_type3A_280, %cond3A_281 : i32
        scf.if %cond3A_282 {
          %sub3A_295 = arith.constant 4 : i32
          %sub3A_296 = arith.subi %add3A_142, %sub3A_295 : i32
          %mul3A_297 = arith.constant 2 : i32
          %mul3A_298 = arith.muli %sub3A_296, %mul3A_297 : i32
          %add3A_299 = arith.addi %mul3A_2, %mul3A_298 : i32
          %dma_wait3A_300 = arith.constant 0 : i32
          %dma_wait3A_301 = arith.constant 0 : i32
          %dma_wait3A_302 = tpu.memref_slice %arg10[%rem3A_144, %dma_wait3A_300, %dma_wait3A_301] : memref<4x2x8192xf32, #tpu.memory_space<vmem>> -> memref<1x2x8192xf32, #tpu.memory_space<vmem>>
          %dma_wait3A_303 = tpu.memref_squeeze %dma_wait3A_302 : memref<1x2x8192xf32, #tpu.memory_space<vmem>> -> memref<2x8192xf32, #tpu.memory_space<vmem>>
          %dma_wait3A_304 = arith.constant 0 : i32
          %dma_wait3A_305 = tpu.memref_slice %arg5[%add3A_299, %dma_wait3A_304] : memref<4096x8192xf32, #tpu.memory_space<hbm>> -> memref<2x8192xf32, #tpu.memory_space<hbm>>
          %dma_wait3A_306 = tpu.memref_slice %arg14[%rem3A_144] : memref<4x!tpu.dma_semaphore, #tpu.memory_space<semaphore_mem>> -> memref<1x!tpu.dma_semaphore, #tpu.memory_space<semaphore_mem>>
          %dma_wait3A_307 = tpu.memref_squeeze %dma_wait3A_306 : memref<1x!tpu.dma_semaphore, #tpu.memory_space<semaphore_mem>> -> memref<!tpu.dma_semaphore, #tpu.memory_space<semaphore_mem>>
          %dma_wait3A_308 = arith.constant 0 : i32
          %dma_wait3A_309 = tpu.memref_slice %arg5[%add3A_299, %dma_wait3A_308] : memref<4096x8192xf32, #tpu.memory_space<hbm>> -> memref<2x8192xf32, #tpu.memory_space<hbm>>
          %dma_wait3A_310 = arith.constant 0 : i32
          %dma_wait3A_311 = arith.constant 0 : i32
          %dma_wait3A_312 = tpu.memref_slice %arg10[%rem3A_144, %dma_wait3A_310, %dma_wait3A_311] : memref<4x2x8192xf32, #tpu.memory_space<vmem>> -> memref<1x2x8192xf32, #tpu.memory_space<vmem>>
          %dma_wait3A_313 = tpu.memref_squeeze %dma_wait3A_312 : memref<1x2x8192xf32, #tpu.memory_space<vmem>> -> memref<2x8192xf32, #tpu.memory_space<vmem>>
          tpu.wait_dma2 semaphore(%dma_wait3A_307 : memref<!tpu.dma_semaphore, #tpu.memory_space<semaphore_mem>>) src(%dma_wait3A_313 : memref<2x8192xf32, #tpu.memory_space<vmem>>) dst(%dma_wait3A_309 : memref<2x8192xf32, #tpu.memory_space<hbm>>)
        } else {
        }
        %dma_start3A_283 = arith.constant 0 : i32
        %dma_start3A_284 = arith.constant 0 : i32
        %dma_start3A_285 = tpu.memref_slice %arg10[%rem3A_144, %dma_start3A_283, %dma_start3A_284] : memref<4x2x8192xf32, #tpu.memory_space<vmem>> -> memref<1x2x8192xf32, #tpu.memory_space<vmem>>
        %dma_start3A_286 = tpu.memref_squeeze %dma_start3A_285 : memref<1x2x8192xf32, #tpu.memory_space<vmem>> -> memref<2x8192xf32, #tpu.memory_space<vmem>>
        %dma_start3A_287 = arith.constant 0 : i32
        %dma_start3A_288 = tpu.memref_slice %arg8[%add3A_142, %dma_start3A_287] : memref<64x2xi32, #tpu.memory_space<vmem>> -> memref<1x2xi32, #tpu.memory_space<vmem>>
        %dma_start3A_289 = tpu.memref_squeeze %dma_start3A_288 : memref<1x2xi32, #tpu.memory_space<vmem>> -> memref<2xi32, #tpu.memory_space<vmem>>
        %dma_start3A_290 = arith.constant 0 : i32
        %dma_start3A_291 = arith.constant 0 : i32
        %dma_start3A_292 = tpu.memref_slice %arg2[%dma_start3A_290, %dma_start3A_291] : memref<8192x8192xf32, #tpu.memory_space<hbm>> -> memref<8192x8192xf32, #tpu.memory_space<hbm>>
        %dma_start3A_293 = tpu.memref_slice %arg13[%rem3A_144] : memref<4x!tpu.dma_semaphore, #tpu.memory_space<semaphore_mem>> -> memref<1x!tpu.dma_semaphore, #tpu.memory_space<semaphore_mem>>
        %dma_start3A_294 = tpu.memref_squeeze %dma_start3A_293 : memref<1x!tpu.dma_semaphore, #tpu.memory_space<semaphore_mem>> -> memref<!tpu.dma_semaphore, #tpu.memory_space<semaphore_mem>>
        tpu.enqueue_indirect_dma source(%dma_start3A_292 : memref<8192x8192xf32, #tpu.memory_space<hbm>>) target(%dma_start3A_286 : memref<2x8192xf32, #tpu.memory_space<vmem>>) offsets(%dma_start3A_289 : memref<2xi32, #tpu.memory_space<vmem>>) semaphore(%dma_start3A_294 : memref<!tpu.dma_semaphore, #tpu.memory_space<semaphore_mem>>)
      } else {
      }
      %get3A = arith.index_cast %scan3A_109 : i32 to index
      %get3A_147 = arith.constant 0 : index
      %get3A_148 = tpu.vector_load %arg9[%get3A, %get3A_147] {strides = array<i32>} : memref<64x16xi32, #tpu.memory_space<vmem>>, vector<1x16xi32>,
      %get3A_149 = vector.shape_cast %get3A_148 : vector<1x16xi32> to vector<16xi32>
      %broadcast_in_dim3A = arith.constant 0.000000e+00 : f32
      %broadcast_in_dim3A_150 = vector.broadcast %broadcast_in_dim3A : f32 to vector<16xf32>
      %scan3A_151 = arith.constant 0 : i32
      %scan3A_152 = arith.constant 0 : i32
      %scan3A_153 = arith.constant 64 : i32
      %scan3A_154 = arith.addi %scan3A_152, %scan3A_153 : i32
      %scan3A_155 = arith.constant 1 : i32
      %scan3A_156 = scf.for %scan3A_279 = %scan3A_152 to %scan3A_154 step %scan3A_155 iter_args(%scan3A_280 = %broadcast_in_dim3A_150) -> (vector<16xf32>)  : i32 {
        %mul3A_281 = arith.constant 128 : i32
        %mul3A_282 = arith.muli %scan3A_279, %mul3A_281 : i32
        %add3A_283 = arith.constant 0 : i32
        %add3A_284 = arith.addi %mul3A_282, %add3A_283 : i32
        %get3A_285 = arith.constant 0 : i32
        %get3A_286 = tpu.memref_slice %arg10[%rem3A_111, %scan3A_151, %get3A_285] : memref<4x2x8192xf32, #tpu.memory_space<vmem>> -> memref<1x1x8192xf32, #tpu.memory_space<vmem>>
        %get3A_287 = tpu.memref_squeeze %get3A_286 : memref<1x1x8192xf32, #tpu.memory_space<vmem>> -> memref<8192xf32, #tpu.memory_space<vmem>>
        %get3A_288 = arith.index_cast %add3A_284 : i32 to index
        %get3A_289 = tpu.vector_load %get3A_287[%get3A_288] {strides = array<i32>} : memref<8192xf32, #tpu.memory_space<vmem>>, vector<16xf32>,
        %get3A_290 = vector.shape_cast %get3A_289 : vector<16xf32> to vector<16xf32>
        %exp3A = math.exp %get3A_290 : vector<16xf32>
        %add3A_291 = arith.addf %scan3A_280, %exp3A : vector<16xf32>
        %add3A_292 = arith.constant 16 : i32
        %add3A_293 = arith.addi %mul3A_282, %add3A_292 : i32
        %get3A_294 = arith.constant 0 : i32
        %get3A_295 = tpu.memref_slice %arg10[%rem3A_111, %scan3A_151, %get3A_294] : memref<4x2x8192xf32, #tpu.memory_space<vmem>> -> memref<1x1x8192xf32, #tpu.memory_space<vmem>>
        %get3A_296 = tpu.memref_squeeze %get3A_295 : memref<1x1x8192xf32, #tpu.memory_space<vmem>> -> memref<8192xf32, #tpu.memory_space<vmem>>
        %get3A_297 = arith.index_cast %add3A_293 : i32 to index
        %get3A_298 = tpu.vector_load %get3A_296[%get3A_297] {strides = array<i32>} : memref<8192xf32, #tpu.memory_space<vmem>>, vector<16xf32>,
        %get3A_299 = vector.shape_cast %get3A_298 : vector<16xf32> to vector<16xf32>
        %exp3A_300 = math.exp %get3A_299 : vector<16xf32>
        %add3A_301 = arith.addf %add3A_291, %exp3A_300 : vector<16xf32>
        %add3A_302 = arith.constant 32 : i32
        %add3A_303 = arith.addi %mul3A_282, %add3A_302 : i32
        %get3A_304 = arith.constant 0 : i32
        %get3A_305 = tpu.memref_slice %arg10[%rem3A_111, %scan3A_151, %get3A_304] : memref<4x2x8192xf32, #tpu.memory_space<vmem>> -> memref<1x1x8192xf32, #tpu.memory_space<vmem>>
        %get3A_306 = tpu.memref_squeeze %get3A_305 : memref<1x1x8192xf32, #tpu.memory_space<vmem>> -> memref<8192xf32, #tpu.memory_space<vmem>>
        %get3A_307 = arith.index_cast %add3A_303 : i32 to index
        %get3A_308 = tpu.vector_load %get3A_306[%get3A_307] {strides = array<i32>} : memref<8192xf32, #tpu.memory_space<vmem>>, vector<16xf32>,
        %get3A_309 = vector.shape_cast %get3A_308 : vector<16xf32> to vector<16xf32>
        %exp3A_310 = math.exp %get3A_309 : vector<16xf32>
        %add3A_311 = arith.addf %add3A_301, %exp3A_310 : vector<16xf32>
        %add3A_312 = arith.constant 48 : i32
        %add3A_313 = arith.addi %mul3A_282, %add3A_312 : i32
        %get3A_314 = arith.constant 0 : i32
        %get3A_315 = tpu.memref_slice %arg10[%rem3A_111, %scan3A_151, %get3A_314] : memref<4x2x8192xf32, #tpu.memory_space<vmem>> -> memref<1x1x8192xf32, #tpu.memory_space<vmem>>
        %get3A_316 = tpu.memref_squeeze %get3A_315 : memref<1x1x8192xf32, #tpu.memory_space<vmem>> -> memref<8192xf32, #tpu.memory_space<vmem>>
        %get3A_317 = arith.index_cast %add3A_313 : i32 to index
        %get3A_318 = tpu.vector_load %get3A_316[%get3A_317] {strides = array<i32>} : memref<8192xf32, #tpu.memory_space<vmem>>, vector<16xf32>,
        %get3A_319 = vector.shape_cast %get3A_318 : vector<16xf32> to vector<16xf32>
        %exp3A_320 = math.exp %get3A_319 : vector<16xf32>
        %add3A_321 = arith.addf %add3A_311, %exp3A_320 : vector<16xf32>
        %add3A_322 = arith.constant 64 : i32
        %add3A_323 = arith.addi %mul3A_282, %add3A_322 : i32
        %get3A_324 = arith.constant 0 : i32
        %get3A_325 = tpu.memref_slice %arg10[%rem3A_111, %scan3A_151, %get3A_324] : memref<4x2x8192xf32, #tpu.memory_space<vmem>> -> memref<1x1x8192xf32, #tpu.memory_space<vmem>>
        %get3A_326 = tpu.memref_squeeze %get3A_325 : memref<1x1x8192xf32, #tpu.memory_space<vmem>> -> memref<8192xf32, #tpu.memory_space<vmem>>
        %get3A_327 = arith.index_cast %add3A_323 : i32 to index
        %get3A_328 = tpu.vector_load %get3A_326[%get3A_327] {strides = array<i32>} : memref<8192xf32, #tpu.memory_space<vmem>>, vector<16xf32>,
        %get3A_329 = vector.shape_cast %get3A_328 : vector<16xf32> to vector<16xf32>
        %exp3A_330 = math.exp %get3A_329 : vector<16xf32>
        %add3A_331 = arith.addf %add3A_321, %exp3A_330 : vector<16xf32>
        %add3A_332 = arith.constant 80 : i32
        %add3A_333 = arith.addi %mul3A_282, %add3A_332 : i32
        %get3A_334 = arith.constant 0 : i32
        %get3A_335 = tpu.memref_slice %arg10[%rem3A_111, %scan3A_151, %get3A_334] : memref<4x2x8192xf32, #tpu.memory_space<vmem>> -> memref<1x1x8192xf32, #tpu.memory_space<vmem>>
        %get3A_336 = tpu.memref_squeeze %get3A_335 : memref<1x1x8192xf32, #tpu.memory_space<vmem>> -> memref<8192xf32, #tpu.memory_space<vmem>>
        %get3A_337 = arith.index_cast %add3A_333 : i32 to index
        %get3A_338 = tpu.vector_load %get3A_336[%get3A_337] {strides = array<i32>} : memref<8192xf32, #tpu.memory_space<vmem>>, vector<16xf32>,
        %get3A_339 = vector.shape_cast %get3A_338 : vector<16xf32> to vector<16xf32>
        %exp3A_340 = math.exp %get3A_339 : vector<16xf32>
        %add3A_341 = arith.addf %add3A_331, %exp3A_340 : vector<16xf32>
        %add3A_342 = arith.constant 96 : i32
        %add3A_343 = arith.addi %mul3A_282, %add3A_342 : i32
        %get3A_344 = arith.constant 0 : i32
        %get3A_345 = tpu.memref_slice %arg10[%rem3A_111, %scan3A_151, %get3A_344] : memref<4x2x8192xf32, #tpu.memory_space<vmem>> -> memref<1x1x8192xf32, #tpu.memory_space<vmem>>
        %get3A_346 = tpu.memref_squeeze %get3A_345 : memref<1x1x8192xf32, #tpu.memory_space<vmem>> -> memref<8192xf32, #tpu.memory_space<vmem>>
        %get3A_347 = arith.index_cast %add3A_343 : i32 to index
        %get3A_348 = tpu.vector_load %get3A_346[%get3A_347] {strides = array<i32>} : memref<8192xf32, #tpu.memory_space<vmem>>, vector<16xf32>,
        %get3A_349 = vector.shape_cast %get3A_348 : vector<16xf32> to vector<16xf32>
        %exp3A_350 = math.exp %get3A_349 : vector<16xf32>
        %add3A_351 = arith.addf %add3A_341, %exp3A_350 : vector<16xf32>
        %add3A_352 = arith.constant 112 : i32
        %add3A_353 = arith.addi %mul3A_282, %add3A_352 : i32
        %get3A_354 = arith.constant 0 : i32
        %get3A_355 = tpu.memref_slice %arg10[%rem3A_111, %scan3A_151, %get3A_354] : memref<4x2x8192xf32, #tpu.memory_space<vmem>> -> memref<1x1x8192xf32, #tpu.memory_space<vmem>>
        %get3A_356 = tpu.memref_squeeze %get3A_355 : memref<1x1x8192xf32, #tpu.memory_space<vmem>> -> memref<8192xf32, #tpu.memory_space<vmem>>
        %get3A_357 = arith.index_cast %add3A_353 : i32 to index
        %get3A_358 = tpu.vector_load %get3A_356[%get3A_357] {strides = array<i32>} : memref<8192xf32, #tpu.memory_space<vmem>>, vector<16xf32>,
        %get3A_359 = vector.shape_cast %get3A_358 : vector<16xf32> to vector<16xf32>
        %exp3A_360 = math.exp %get3A_359 : vector<16xf32>
        %add3A_361 = arith.addf %add3A_351, %exp3A_360 : vector<16xf32>
        scf.yield %add3A_361 : vector<16xf32>
      }
      %scan3A_157 = arith.constant 64 : i32
      %mul3A_158 = arith.constant 2 : i32
      %mul3A_159 = arith.muli %scan3A_109, %mul3A_158 : i32
      %add3A_160 = arith.constant 0 : i32
      %add3A_161 = arith.addi %mul3A_159, %add3A_160 : i32
      %mul3A_162 = arith.constant 16 : i32
      %mul3A_163 = arith.muli %add3A_161, %mul3A_162 : i32
      %swap3A = arith.index_cast %mul3A_163 : i32 to index
      %swap3A_164 = tpu.vector_load %arg11[%swap3A] {strides = array<i32>} : memref<2048xf32, #tpu.memory_space<vmem>>, vector<16xf32>,
      %swap3A_165 = vector.shape_cast %swap3A_164 : vector<16xf32> to vector<16xf32>
      %swap3A_166 = vector.shape_cast %scan3A_156 : vector<16xf32> to vector<16xf32>
      tpu.vector_store %arg11[%swap3A], %swap3A_166 {strides = array<i32>} : memref<2048xf32, #tpu.memory_space<vmem>>, vector<16xf32>,
      %slice3A = vector.extract_strided_slice %get3A_149 {offsets = [0], sizes = [1], strides = [1]} : vector<16xi32> to vector<1xi32>
      %squeeze3A = vector.extract %slice3A[0] : i32 from vector<1xi32>
      %jit3A = arith.constant 16 : i32
      %div3A = arith.divsi %squeeze3A, %jit3A : i32
      %sign3A = arith.constant 0 : i32
      %sign3A_167 = arith.cmpi sgt, %squeeze3A, %sign3A : i32
      %sign3A_168 = arith.extui %sign3A_167 : i1 to i32
      %sign3A_169 = arith.constant 0 : i32
      %sign3A_170 = arith.cmpi slt, %squeeze3A, %sign3A_169 : i32
      %sign3A_171 = arith.extui %sign3A_170 : i1 to i32
      %sign3A_172 = arith.subi %sign3A_168, %sign3A_171 : i32
      %sign3A_173 = arith.constant 0 : i32
      %sign3A_174 = arith.cmpi sgt, %jit3A, %sign3A_173 : i32
      %sign3A_175 = arith.extui %sign3A_174 : i1 to i32
      %sign3A_176 = arith.constant 0 : i32
      %sign3A_177 = arith.cmpi slt, %jit3A, %sign3A_176 : i32
      %sign3A_178 = arith.extui %sign3A_177 : i1 to i32
      %sign3A_179 = arith.subi %sign3A_175, %sign3A_178 : i32
      %ne3A = arith.cmpi ne, %sign3A_172, %sign3A_179 : i32
      %rem3A_180 = arith.remsi %squeeze3A, %jit3A : i32
      %ne3A_181 = arith.constant 0 : i32
      %ne3A_182 = arith.cmpi ne, %rem3A_180, %ne3A_181 : i32
      %and3A = arith.andi %ne3A, %ne3A_182 : i1
      %sub3A = arith.constant 1 : i32
      %sub3A_183 = arith.subi %div3A, %sub3A : i32
      %select_n3A = arith.select %and3A, %sub3A_183, %div3A : i32
      %mul3A_184 = arith.constant 16 : i32
      %mul3A_185 = arith.muli %select_n3A, %mul3A_184 : i32
      %get3A_186 = arith.constant 0 : i32
      %get3A_187 = arith.constant 0 : i32
      %get3A_188 = tpu.memref_slice %arg10[%rem3A_111, %get3A_186, %get3A_187] : memref<4x2x8192xf32, #tpu.memory_space<vmem>> -> memref<1x1x8192xf32, #tpu.memory_space<vmem>>
      %get3A_189 = tpu.memref_squeeze %get3A_188 : memref<1x1x8192xf32, #tpu.memory_space<vmem>> -> memref<8192xf32, #tpu.memory_space<vmem>>
      %get3A_190 = arith.index_cast %mul3A_185 : i32 to index
      %get3A_191 = tpu.vector_load %get3A_189[%get3A_190] {strides = array<i32>} : memref<8192xf32, #tpu.memory_space<vmem>>, vector<16xf32>,
      %get3A_192 = vector.shape_cast %get3A_191 : vector<16xf32> to vector<16xf32>
      %sub3A_193 = arith.subi %squeeze3A, %mul3A_185 : i32
      %eq3A = vector.broadcast %sub3A_193 : i32 to vector<16xi32>
      %eq3A_194 = arith.cmpi eq, %iota3A, %eq3A : vector<16xi32>
      %jit3A_195 = arith.constant 0.000000e+00 : f32
      %broadcast_in_dim3A_196 = vector.broadcast %jit3A_195 : f32 to vector<16xf32>
      %select_n3A_197 = arith.select %eq3A_194, %get3A_192, %broadcast_in_dim3A_196 : vector<16xi1>, vector<16xf32>
      %mul3A_198 = arith.constant 2 : i32
      %mul3A_199 = arith.muli %scan3A_109, %mul3A_198 : i32
      %add3A_200 = arith.constant 0 : i32
      %add3A_201 = arith.addi %mul3A_199, %add3A_200 : i32
      %mul3A_202 = arith.constant 16 : i32
      %mul3A_203 = arith.muli %add3A_201, %mul3A_202 : i32
      %swap3A_204 = arith.index_cast %mul3A_203 : i32 to index
      %swap3A_205 = tpu.vector_load %arg12[%swap3A_204] {strides = array<i32>} : memref<2048xf32, #tpu.memory_space<vmem>>, vector<16xf32>,
      %swap3A_206 = vector.shape_cast %swap3A_205 : vector<16xf32> to vector<16xf32>
      %swap3A_207 = vector.shape_cast %select_n3A_197 : vector<16xf32> to vector<16xf32>
      tpu.vector_store %arg12[%swap3A_204], %swap3A_207 {strides = array<i32>} : memref<2048xf32, #tpu.memory_space<vmem>>, vector<16xf32>,
      %broadcast_in_dim3A_208 = arith.constant 0.000000e+00 : f32
      %broadcast_in_dim3A_209 = vector.broadcast %broadcast_in_dim3A_208 : f32 to vector<16xf32>
      %scan3A_210 = arith.constant 1 : i32
      %scan3A_211 = arith.constant 0 : i32
      %scan3A_212 = arith.constant 64 : i32
      %scan3A_213 = arith.addi %scan3A_211, %scan3A_212 : i32
      %scan3A_214 = arith.constant 1 : i32
      %scan3A_215 = scf.for %scan3A_279 = %scan3A_211 to %scan3A_213 step %scan3A_214 iter_args(%scan3A_280 = %broadcast_in_dim3A_209) -> (vector<16xf32>)  : i32 {
        %mul3A_281 = arith.constant 128 : i32
        %mul3A_282 = arith.muli %scan3A_279, %mul3A_281 : i32
        %add3A_283 = arith.constant 0 : i32
        %add3A_284 = arith.addi %mul3A_282, %add3A_283 : i32
        %get3A_285 = arith.constant 0 : i32
        %get3A_286 = tpu.memref_slice %arg10[%rem3A_111, %scan3A_210, %get3A_285] : memref<4x2x8192xf32, #tpu.memory_space<vmem>> -> memref<1x1x8192xf32, #tpu.memory_space<vmem>>
        %get3A_287 = tpu.memref_squeeze %get3A_286 : memref<1x1x8192xf32, #tpu.memory_space<vmem>> -> memref<8192xf32, #tpu.memory_space<vmem>>
        %get3A_288 = arith.index_cast %add3A_284 : i32 to index
        %get3A_289 = tpu.vector_load %get3A_287[%get3A_288] {strides = array<i32>} : memref<8192xf32, #tpu.memory_space<vmem>>, vector<16xf32>,
        %get3A_290 = vector.shape_cast %get3A_289 : vector<16xf32> to vector<16xf32>
        %exp3A = math.exp %get3A_290 : vector<16xf32>
        %add3A_291 = arith.addf %scan3A_280, %exp3A : vector<16xf32>
        %add3A_292 = arith.constant 16 : i32
        %add3A_293 = arith.addi %mul3A_282, %add3A_292 : i32
        %get3A_294 = arith.constant 0 : i32
        %get3A_295 = tpu.memref_slice %arg10[%rem3A_111, %scan3A_210, %get3A_294] : memref<4x2x8192xf32, #tpu.memory_space<vmem>> -> memref<1x1x8192xf32, #tpu.memory_space<vmem>>
        %get3A_296 = tpu.memref_squeeze %get3A_295 : memref<1x1x8192xf32, #tpu.memory_space<vmem>> -> memref<8192xf32, #tpu.memory_space<vmem>>
        %get3A_297 = arith.index_cast %add3A_293 : i32 to index
        %get3A_298 = tpu.vector_load %get3A_296[%get3A_297] {strides = array<i32>} : memref<8192xf32, #tpu.memory_space<vmem>>, vector<16xf32>,
        %get3A_299 = vector.shape_cast %get3A_298 : vector<16xf32> to vector<16xf32>
        %exp3A_300 = math.exp %get3A_299 : vector<16xf32>
        %add3A_301 = arith.addf %add3A_291, %exp3A_300 : vector<16xf32>
        %add3A_302 = arith.constant 32 : i32
        %add3A_303 = arith.addi %mul3A_282, %add3A_302 : i32
        %get3A_304 = arith.constant 0 : i32
        %get3A_305 = tpu.memref_slice %arg10[%rem3A_111, %scan3A_210, %get3A_304] : memref<4x2x8192xf32, #tpu.memory_space<vmem>> -> memref<1x1x8192xf32, #tpu.memory_space<vmem>>
        %get3A_306 = tpu.memref_squeeze %get3A_305 : memref<1x1x8192xf32, #tpu.memory_space<vmem>> -> memref<8192xf32, #tpu.memory_space<vmem>>
        %get3A_307 = arith.index_cast %add3A_303 : i32 to index
        %get3A_308 = tpu.vector_load %get3A_306[%get3A_307] {strides = array<i32>} : memref<8192xf32, #tpu.memory_space<vmem>>, vector<16xf32>,
        %get3A_309 = vector.shape_cast %get3A_308 : vector<16xf32> to vector<16xf32>
        %exp3A_310 = math.exp %get3A_309 : vector<16xf32>
        %add3A_311 = arith.addf %add3A_301, %exp3A_310 : vector<16xf32>
        %add3A_312 = arith.constant 48 : i32
        %add3A_313 = arith.addi %mul3A_282, %add3A_312 : i32
        %get3A_314 = arith.constant 0 : i32
        %get3A_315 = tpu.memref_slice %arg10[%rem3A_111, %scan3A_210, %get3A_314] : memref<4x2x8192xf32, #tpu.memory_space<vmem>> -> memref<1x1x8192xf32, #tpu.memory_space<vmem>>
        %get3A_316 = tpu.memref_squeeze %get3A_315 : memref<1x1x8192xf32, #tpu.memory_space<vmem>> -> memref<8192xf32, #tpu.memory_space<vmem>>
        %get3A_317 = arith.index_cast %add3A_313 : i32 to index
        %get3A_318 = tpu.vector_load %get3A_316[%get3A_317] {strides = array<i32>} : memref<8192xf32, #tpu.memory_space<vmem>>, vector<16xf32>,
        %get3A_319 = vector.shape_cast %get3A_318 : vector<16xf32> to vector<16xf32>
        %exp3A_320 = math.exp %get3A_319 : vector<16xf32>
        %add3A_321 = arith.addf %add3A_311, %exp3A_320 : vector<16xf32>
        %add3A_322 = arith.constant 64 : i32
        %add3A_323 = arith.addi %mul3A_282, %add3A_322 : i32
        %get3A_324 = arith.constant 0 : i32
        %get3A_325 = tpu.memref_slice %arg10[%rem3A_111, %scan3A_210, %get3A_324] : memref<4x2x8192xf32, #tpu.memory_space<vmem>> -> memref<1x1x8192xf32, #tpu.memory_space<vmem>>
        %get3A_326 = tpu.memref_squeeze %get3A_325 : memref<1x1x8192xf32, #tpu.memory_space<vmem>> -> memref<8192xf32, #tpu.memory_space<vmem>>
        %get3A_327 = arith.index_cast %add3A_323 : i32 to index
        %get3A_328 = tpu.vector_load %get3A_326[%get3A_327] {strides = array<i32>} : memref<8192xf32, #tpu.memory_space<vmem>>, vector<16xf32>,
        %get3A_329 = vector.shape_cast %get3A_328 : vector<16xf32> to vector<16xf32>
        %exp3A_330 = math.exp %get3A_329 : vector<16xf32>
        %add3A_331 = arith.addf %add3A_321, %exp3A_330 : vector<16xf32>
        %add3A_332 = arith.constant 80 : i32
        %add3A_333 = arith.addi %mul3A_282, %add3A_332 : i32
        %get3A_334 = arith.constant 0 : i32
        %get3A_335 = tpu.memref_slice %arg10[%rem3A_111, %scan3A_210, %get3A_334] : memref<4x2x8192xf32, #tpu.memory_space<vmem>> -> memref<1x1x8192xf32, #tpu.memory_space<vmem>>
        %get3A_336 = tpu.memref_squeeze %get3A_335 : memref<1x1x8192xf32, #tpu.memory_space<vmem>> -> memref<8192xf32, #tpu.memory_space<vmem>>
        %get3A_337 = arith.index_cast %add3A_333 : i32 to index
        %get3A_338 = tpu.vector_load %get3A_336[%get3A_337] {strides = array<i32>} : memref<8192xf32, #tpu.memory_space<vmem>>, vector<16xf32>,
        %get3A_339 = vector.shape_cast %get3A_338 : vector<16xf32> to vector<16xf32>
        %exp3A_340 = math.exp %get3A_339 : vector<16xf32>
        %add3A_341 = arith.addf %add3A_331, %exp3A_340 : vector<16xf32>
        %add3A_342 = arith.constant 96 : i32
        %add3A_343 = arith.addi %mul3A_282, %add3A_342 : i32
        %get3A_344 = arith.constant 0 : i32
        %get3A_345 = tpu.memref_slice %arg10[%rem3A_111, %scan3A_210, %get3A_344] : memref<4x2x8192xf32, #tpu.memory_space<vmem>> -> memref<1x1x8192xf32, #tpu.memory_space<vmem>>
        %get3A_346 = tpu.memref_squeeze %get3A_345 : memref<1x1x8192xf32, #tpu.memory_space<vmem>> -> memref<8192xf32, #tpu.memory_space<vmem>>
        %get3A_347 = arith.index_cast %add3A_343 : i32 to index
        %get3A_348 = tpu.vector_load %get3A_346[%get3A_347] {strides = array<i32>} : memref<8192xf32, #tpu.memory_space<vmem>>, vector<16xf32>,
        %get3A_349 = vector.shape_cast %get3A_348 : vector<16xf32> to vector<16xf32>
        %exp3A_350 = math.exp %get3A_349 : vector<16xf32>
        %add3A_351 = arith.addf %add3A_341, %exp3A_350 : vector<16xf32>
        %add3A_352 = arith.constant 112 : i32
        %add3A_353 = arith.addi %mul3A_282, %add3A_352 : i32
        %get3A_354 = arith.constant 0 : i32
        %get3A_355 = tpu.memref_slice %arg10[%rem3A_111, %scan3A_210, %get3A_354] : memref<4x2x8192xf32, #tpu.memory_space<vmem>> -> memref<1x1x8192xf32, #tpu.memory_space<vmem>>
        %get3A_356 = tpu.memref_squeeze %get3A_355 : memref<1x1x8192xf32, #tpu.memory_space<vmem>> -> memref<8192xf32, #tpu.memory_space<vmem>>
        %get3A_357 = arith.index_cast %add3A_353 : i32 to index
        %get3A_358 = tpu.vector_load %get3A_356[%get3A_357] {strides = array<i32>} : memref<8192xf32, #tpu.memory_space<vmem>>, vector<16xf32>,
        %get3A_359 = vector.shape_cast %get3A_358 : vector<16xf32> to vector<16xf32>
        %exp3A_360 = math.exp %get3A_359 : vector<16xf32>
        %add3A_361 = arith.addf %add3A_351, %exp3A_360 : vector<16xf32>
        scf.yield %add3A_361 : vector<16xf32>
      }
      %scan3A_216 = arith.constant 64 : i32
      %mul3A_217 = arith.constant 2 : i32
      %mul3A_218 = arith.muli %scan3A_109, %mul3A_217 : i32
      %add3A_219 = arith.constant 1 : i32
      %add3A_220 = arith.addi %mul3A_218, %add3A_219 : i32
      %mul3A_221 = arith.constant 16 : i32
      %mul3A_222 = arith.muli %add3A_220, %mul3A_221 : i32
      %swap3A_223 = arith.index_cast %mul3A_222 : i32 to index
      %swap3A_224 = tpu.vector_load %arg11[%swap3A_223] {strides = array<i32>} : memref<2048xf32, #tpu.memory_space<vmem>>, vector<16xf32>,
      %swap3A_225 = vector.shape_cast %swap3A_224 : vector<16xf32> to vector<16xf32>
      %swap3A_226 = vector.shape_cast %scan3A_215 : vector<16xf32> to vector<16xf32>
      tpu.vector_store %arg11[%swap3A_223], %swap3A_226 {strides = array<i32>} : memref<2048xf32, #tpu.memory_space<vmem>>, vector<16xf32>,
      %slice3A_227 = vector.extract_strided_slice %get3A_149 {offsets = [1], sizes = [1], strides = [1]} : vector<16xi32> to vector<1xi32>
      %squeeze3A_228 = vector.extract %slice3A_227[0] : i32 from vector<1xi32>
      %jit3A_229 = arith.constant 16 : i32
      %div3A_230 = arith.divsi %squeeze3A_228, %jit3A_229 : i32
      %sign3A_231 = arith.constant 0 : i32
      %sign3A_232 = arith.cmpi sgt, %squeeze3A_228, %sign3A_231 : i32
      %sign3A_233 = arith.extui %sign3A_232 : i1 to i32
      %sign3A_234 = arith.constant 0 : i32
      %sign3A_235 = arith.cmpi slt, %squeeze3A_228, %sign3A_234 : i32
      %sign3A_236 = arith.extui %sign3A_235 : i1 to i32
      %sign3A_237 = arith.subi %sign3A_233, %sign3A_236 : i32
      %sign3A_238 = arith.constant 0 : i32
      %sign3A_239 = arith.cmpi sgt, %jit3A_229, %sign3A_238 : i32
      %sign3A_240 = arith.extui %sign3A_239 : i1 to i32
      %sign3A_241 = arith.constant 0 : i32
      %sign3A_242 = arith.cmpi slt, %jit3A_229, %sign3A_241 : i32
      %sign3A_243 = arith.extui %sign3A_242 : i1 to i32
      %sign3A_244 = arith.subi %sign3A_240, %sign3A_243 : i32
      %ne3A_245 = arith.cmpi ne, %sign3A_237, %sign3A_244 : i32
      %rem3A_246 = arith.remsi %squeeze3A_228, %jit3A_229 : i32
      %ne3A_247 = arith.constant 0 : i32
      %ne3A_248 = arith.cmpi ne, %rem3A_246, %ne3A_247 : i32
      %and3A_249 = arith.andi %ne3A_245, %ne3A_248 : i1
      %sub3A_250 = arith.constant 1 : i32
      %sub3A_251 = arith.subi %div3A_230, %sub3A_250 : i32
      %select_n3A_252 = arith.select %and3A_249, %sub3A_251, %div3A_230 : i32
      %mul3A_253 = arith.constant 16 : i32
      %mul3A_254 = arith.muli %select_n3A_252, %mul3A_253 : i32
      %get3A_255 = arith.constant 1 : i32
      %get3A_256 = arith.constant 0 : i32
      %get3A_257 = tpu.memref_slice %arg10[%rem3A_111, %get3A_255, %get3A_256] : memref<4x2x8192xf32, #tpu.memory_space<vmem>> -> memref<1x1x8192xf32, #tpu.memory_space<vmem>>
      %get3A_258 = tpu.memref_squeeze %get3A_257 : memref<1x1x8192xf32, #tpu.memory_space<vmem>> -> memref<8192xf32, #tpu.memory_space<vmem>>
      %get3A_259 = arith.index_cast %mul3A_254 : i32 to index
      %get3A_260 = tpu.vector_load %get3A_258[%get3A_259] {strides = array<i32>} : memref<8192xf32, #tpu.memory_space<vmem>>, vector<16xf32>,
      %get3A_261 = vector.shape_cast %get3A_260 : vector<16xf32> to vector<16xf32>
      %sub3A_262 = arith.subi %squeeze3A_228, %mul3A_254 : i32
      %eq3A_263 = vector.broadcast %sub3A_262 : i32 to vector<16xi32>
      %eq3A_264 = arith.cmpi eq, %iota3A, %eq3A_263 : vector<16xi32>
      %jit3A_265 = arith.constant 0.000000e+00 : f32
      %broadcast_in_dim3A_266 = vector.broadcast %jit3A_265 : f32 to vector<16xf32>
      %select_n3A_267 = arith.select %eq3A_264, %get3A_261, %broadcast_in_dim3A_266 : vector<16xi1>, vector<16xf32>
      %mul3A_268 = arith.constant 2 : i32
      %mul3A_269 = arith.muli %scan3A_109, %mul3A_268 : i32
      %add3A_270 = arith.constant 1 : i32
      %add3A_271 = arith.addi %mul3A_269, %add3A_270 : i32
      %mul3A_272 = arith.constant 16 : i32
      %mul3A_273 = arith.muli %add3A_271, %mul3A_272 : i32
      %swap3A_274 = arith.index_cast %mul3A_273 : i32 to index
      %swap3A_275 = tpu.vector_load %arg12[%swap3A_274] {strides = array<i32>} : memref<2048xf32, #tpu.memory_space<vmem>>, vector<16xf32>,
      %swap3A_276 = vector.shape_cast %swap3A_275 : vector<16xf32> to vector<16xf32>
      %swap3A_277 = vector.shape_cast %select_n3A_267 : vector<16xf32> to vector<16xf32>
      tpu.vector_store %arg12[%swap3A_274], %swap3A_277 {strides = array<i32>} : memref<2048xf32, #tpu.memory_space<vmem>>, vector<16xf32>,
      %scan3A_278 = arith.constant 0 : i32
      scf.yield %scan3A_278 : i32
    }
    %scan3A_37 = arith.constant 64 : i32
    %add3A_38 = arith.constant 120 : i32
    %add3A_39 = arith.addi %mul3A_2, %add3A_38 : i32
    %dma_wait3A = arith.constant 0 : i32
    %dma_wait3A_40 = arith.constant 0 : i32
    %dma_wait3A_41 = arith.constant 0 : i32
    %dma_wait3A_42 = arith.constant 0 : i32
    %dma_wait3A_43 = tpu.memref_slice %arg10[%dma_wait3A, %dma_wait3A_41, %dma_wait3A_42] : memref<4x2x8192xf32, #tpu.memory_space<vmem>> -> memref<1x2x8192xf32, #tpu.memory_space<vmem>>
    %dma_wait3A_44 = tpu.memref_squeeze %dma_wait3A_43 : memref<1x2x8192xf32, #tpu.memory_space<vmem>> -> memref<2x8192xf32, #tpu.memory_space<vmem>>
    %dma_wait3A_45 = arith.constant 0 : i32
    %dma_wait3A_46 = tpu.memref_slice %arg5[%add3A_39, %dma_wait3A_45] : memref<4096x8192xf32, #tpu.memory_space<hbm>> -> memref<2x8192xf32, #tpu.memory_space<hbm>>
    %dma_wait3A_47 = tpu.memref_slice %arg14[%dma_wait3A_40] : memref<4x!tpu.dma_semaphore, #tpu.memory_space<semaphore_mem>> -> memref<1x!tpu.dma_semaphore, #tpu.memory_space<semaphore_mem>>
    %dma_wait3A_48 = tpu.memref_squeeze %dma_wait3A_47 : memref<1x!tpu.dma_semaphore, #tpu.memory_space<semaphore_mem>> -> memref<!tpu.dma_semaphore, #tpu.memory_space<semaphore_mem>>
    %dma_wait3A_49 = arith.constant 0 : i32
    %dma_wait3A_50 = tpu.memref_slice %arg5[%add3A_39, %dma_wait3A_49] : memref<4096x8192xf32, #tpu.memory_space<hbm>> -> memref<2x8192xf32, #tpu.memory_space<hbm>>
    %dma_wait3A_51 = arith.constant 0 : i32
    %dma_wait3A_52 = arith.constant 0 : i32
    %dma_wait3A_53 = tpu.memref_slice %arg10[%dma_wait3A, %dma_wait3A_51, %dma_wait3A_52] : memref<4x2x8192xf32, #tpu.memory_space<vmem>> -> memref<1x2x8192xf32, #tpu.memory_space<vmem>>
    %dma_wait3A_54 = tpu.memref_squeeze %dma_wait3A_53 : memref<1x2x8192xf32, #tpu.memory_space<vmem>> -> memref<2x8192xf32, #tpu.memory_space<vmem>>
    tpu.wait_dma2 semaphore(%dma_wait3A_48 : memref<!tpu.dma_semaphore, #tpu.memory_space<semaphore_mem>>) src(%dma_wait3A_54 : memref<2x8192xf32, #tpu.memory_space<vmem>>) dst(%dma_wait3A_50 : memref<2x8192xf32, #tpu.memory_space<hbm>>)
    %add3A_55 = arith.constant 122 : i32
    %add3A_56 = arith.addi %mul3A_2, %add3A_55 : i32
    %dma_wait3A_57 = arith.constant 1 : i32
    %dma_wait3A_58 = arith.constant 1 : i32
    %dma_wait3A_59 = arith.constant 0 : i32
    %dma_wait3A_60 = arith.constant 0 : i32
    %dma_wait3A_61 = tpu.memref_slice %arg10[%dma_wait3A_57, %dma_wait3A_59, %dma_wait3A_60] : memref<4x2x8192xf32, #tpu.memory_space<vmem>> -> memref<1x2x8192xf32, #tpu.memory_space<vmem>>
    %dma_wait3A_62 = tpu.memref_squeeze %dma_wait3A_61 : memref<1x2x8192xf32, #tpu.memory_space<vmem>> -> memref<2x8192xf32, #tpu.memory_space<vmem>>
    %dma_wait3A_63 = arith.constant 0 : i32
    %dma_wait3A_64 = tpu.memref_slice %arg5[%add3A_56, %dma_wait3A_63] : memref<4096x8192xf32, #tpu.memory_space<hbm>> -> memref<2x8192xf32, #tpu.memory_space<hbm>>
    %dma_wait3A_65 = tpu.memref_slice %arg14[%dma_wait3A_58] : memref<4x!tpu.dma_semaphore, #tpu.memory_space<semaphore_mem>> -> memref<1x!tpu.dma_semaphore, #tpu.memory_space<semaphore_mem>>
    %dma_wait3A_66 = tpu.memref_squeeze %dma_wait3A_65 : memref<1x!tpu.dma_semaphore, #tpu.memory_space<semaphore_mem>> -> memref<!tpu.dma_semaphore, #tpu.memory_space<semaphore_mem>>
    %dma_wait3A_67 = arith.constant 0 : i32
    %dma_wait3A_68 = tpu.memref_slice %arg5[%add3A_56, %dma_wait3A_67] : memref<4096x8192xf32, #tpu.memory_space<hbm>> -> memref<2x8192xf32, #tpu.memory_space<hbm>>
    %dma_wait3A_69 = arith.constant 0 : i32
    %dma_wait3A_70 = arith.constant 0 : i32
    %dma_wait3A_71 = tpu.memref_slice %arg10[%dma_wait3A_57, %dma_wait3A_69, %dma_wait3A_70] : memref<4x2x8192xf32, #tpu.memory_space<vmem>> -> memref<1x2x8192xf32, #tpu.memory_space<vmem>>
    %dma_wait3A_72 = tpu.memref_squeeze %dma_wait3A_71 : memref<1x2x8192xf32, #tpu.memory_space<vmem>> -> memref<2x8192xf32, #tpu.memory_space<vmem>>
    tpu.wait_dma2 semaphore(%dma_wait3A_66 : memref<!tpu.dma_semaphore, #tpu.memory_space<semaphore_mem>>) src(%dma_wait3A_72 : memref<2x8192xf32, #tpu.memory_space<vmem>>) dst(%dma_wait3A_68 : memref<2x8192xf32, #tpu.memory_space<hbm>>)
    %add3A_73 = arith.constant 124 : i32
    %add3A_74 = arith.addi %mul3A_2, %add3A_73 : i32
    %dma_wait3A_75 = arith.constant 2 : i32
    %dma_wait3A_76 = arith.constant 2 : i32
    %dma_wait3A_77 = arith.constant 0 : i32
    %dma_wait3A_78 = arith.constant 0 : i32
    %dma_wait3A_79 = tpu.memref_slice %arg10[%dma_wait3A_75, %dma_wait3A_77, %dma_wait3A_78] : memref<4x2x8192xf32, #tpu.memory_space<vmem>> -> memref<1x2x8192xf32, #tpu.memory_space<vmem>>
    %dma_wait3A_80 = tpu.memref_squeeze %dma_wait3A_79 : memref<1x2x8192xf32, #tpu.memory_space<vmem>> -> memref<2x8192xf32, #tpu.memory_space<vmem>>
    %dma_wait3A_81 = arith.constant 0 : i32
    %dma_wait3A_82 = tpu.memref_slice %arg5[%add3A_74, %dma_wait3A_81] : memref<4096x8192xf32, #tpu.memory_space<hbm>> -> memref<2x8192xf32, #tpu.memory_space<hbm>>
    %dma_wait3A_83 = tpu.memref_slice %arg14[%dma_wait3A_76] : memref<4x!tpu.dma_semaphore, #tpu.memory_space<semaphore_mem>> -> memref<1x!tpu.dma_semaphore, #tpu.memory_space<semaphore_mem>>
    %dma_wait3A_84 = tpu.memref_squeeze %dma_wait3A_83 : memref<1x!tpu.dma_semaphore, #tpu.memory_space<semaphore_mem>> -> memref<!tpu.dma_semaphore, #tpu.memory_space<semaphore_mem>>
    %dma_wait3A_85 = arith.constant 0 : i32
    %dma_wait3A_86 = tpu.memref_slice %arg5[%add3A_74, %dma_wait3A_85] : memref<4096x8192xf32, #tpu.memory_space<hbm>> -> memref<2x8192xf32, #tpu.memory_space<hbm>>
    %dma_wait3A_87 = arith.constant 0 : i32
    %dma_wait3A_88 = arith.constant 0 : i32
    %dma_wait3A_89 = tpu.memref_slice %arg10[%dma_wait3A_75, %dma_wait3A_87, %dma_wait3A_88] : memref<4x2x8192xf32, #tpu.memory_space<vmem>> -> memref<1x2x8192xf32, #tpu.memory_space<vmem>>
    %dma_wait3A_90 = tpu.memref_squeeze %dma_wait3A_89 : memref<1x2x8192xf32, #tpu.memory_space<vmem>> -> memref<2x8192xf32, #tpu.memory_space<vmem>>
    tpu.wait_dma2 semaphore(%dma_wait3A_84 : memref<!tpu.dma_semaphore, #tpu.memory_space<semaphore_mem>>) src(%dma_wait3A_90 : memref<2x8192xf32, #tpu.memory_space<vmem>>) dst(%dma_wait3A_86 : memref<2x8192xf32, #tpu.memory_space<hbm>>)
    %add3A_91 = arith.constant 126 : i32
    %add3A_92 = arith.addi %mul3A_2, %add3A_91 : i32
    %dma_wait3A_93 = arith.constant 3 : i32
    %dma_wait3A_94 = arith.constant 3 : i32
    %dma_wait3A_95 = arith.constant 0 : i32
    %dma_wait3A_96 = arith.constant 0 : i32
    %dma_wait3A_97 = tpu.memref_slice %arg10[%dma_wait3A_93, %dma_wait3A_95, %dma_wait3A_96] : memref<4x2x8192xf32, #tpu.memory_space<vmem>> -> memref<1x2x8192xf32, #tpu.memory_space<vmem>>
    %dma_wait3A_98 = tpu.memref_squeeze %dma_wait3A_97 : memref<1x2x8192xf32, #tpu.memory_space<vmem>> -> memref<2x8192xf32, #tpu.memory_space<vmem>>
    %dma_wait3A_99 = arith.constant 0 : i32
    %dma_wait3A_100 = tpu.memref_slice %arg5[%add3A_92, %dma_wait3A_99] : memref<4096x8192xf32, #tpu.memory_space<hbm>> -> memref<2x8192xf32, #tpu.memory_space<hbm>>
    %dma_wait3A_101 = tpu.memref_slice %arg14[%dma_wait3A_94] : memref<4x!tpu.dma_semaphore, #tpu.memory_space<semaphore_mem>> -> memref<1x!tpu.dma_semaphore, #tpu.memory_space<semaphore_mem>>
    %dma_wait3A_102 = tpu.memref_squeeze %dma_wait3A_101 : memref<1x!tpu.dma_semaphore, #tpu.memory_space<semaphore_mem>> -> memref<!tpu.dma_semaphore, #tpu.memory_space<semaphore_mem>>
    %dma_wait3A_103 = arith.constant 0 : i32
    %dma_wait3A_104 = tpu.memref_slice %arg5[%add3A_92, %dma_wait3A_103] : memref<4096x8192xf32, #tpu.memory_space<hbm>> -> memref<2x8192xf32, #tpu.memory_space<hbm>>
    %dma_wait3A_105 = arith.constant 0 : i32
    %dma_wait3A_106 = arith.constant 0 : i32
    %dma_wait3A_107 = tpu.memref_slice %arg10[%dma_wait3A_93, %dma_wait3A_105, %dma_wait3A_106] : memref<4x2x8192xf32, #tpu.memory_space<vmem>> -> memref<1x2x8192xf32, #tpu.memory_space<vmem>>
    %dma_wait3A_108 = tpu.memref_squeeze %dma_wait3A_107 : memref<1x2x8192xf32, #tpu.memory_space<vmem>> -> memref<2x8192xf32, #tpu.memory_space<vmem>>
    tpu.wait_dma2 semaphore(%dma_wait3A_102 : memref<!tpu.dma_semaphore, #tpu.memory_space<semaphore_mem>>) src(%dma_wait3A_108 : memref<2x8192xf32, #tpu.memory_space<vmem>>) dst(%dma_wait3A_104 : memref<2x8192xf32, #tpu.memory_space<hbm>>)
    "tpu.region"() ({
      %run_scoped3A = tpu.sem_alloc : memref<!tpu.dma_semaphore, #tpu.memory_space<semaphore_mem>>
      %dma_start3A_109 = arith.constant 0 : i32
      %dma_start3A_110 = tpu.memref_slice %arg6[%add3A, %dma_start3A_109] : memref<32x2048xf32, #tpu.memory_space<hbm>> -> memref<1x2048xf32, #tpu.memory_space<hbm>>
      %dma_start3A_111 = tpu.memref_squeeze %dma_start3A_110 : memref<1x2048xf32, #tpu.memory_space<hbm>> -> memref<2048xf32, #tpu.memory_space<hbm>>
      %dma_start3A_112 = arith.constant 0 : i32
      %dma_start3A_113 = tpu.memref_slice %arg6[%add3A, %dma_start3A_112] : memref<32x2048xf32, #tpu.memory_space<hbm>> -> memref<1x2048xf32, #tpu.memory_space<hbm>>
      %dma_start3A_114 = tpu.memref_squeeze %dma_start3A_113 : memref<1x2048xf32, #tpu.memory_space<hbm>> -> memref<2048xf32, #tpu.memory_space<hbm>>
      tpu.enqueue_dma source(%arg11 : memref<2048xf32, #tpu.memory_space<vmem>>) target(%dma_start3A_114 : memref<2048xf32, #tpu.memory_space<hbm>>) target_semaphore(%run_scoped3A : memref<!tpu.dma_semaphore, #tpu.memory_space<semaphore_mem>>)
      %dma_wait3A_115 = arith.constant 0 : i32
      %dma_wait3A_116 = tpu.memref_slice %arg6[%add3A, %dma_wait3A_115] : memref<32x2048xf32, #tpu.memory_space<hbm>> -> memref<1x2048xf32, #tpu.memory_space<hbm>>
      %dma_wait3A_117 = tpu.memref_squeeze %dma_wait3A_116 : memref<1x2048xf32, #tpu.memory_space<hbm>> -> memref<2048xf32, #tpu.memory_space<hbm>>
      %dma_wait3A_118 = arith.constant 0 : i32
      %dma_wait3A_119 = tpu.memref_slice %arg6[%add3A, %dma_wait3A_118] : memref<32x2048xf32, #tpu.memory_space<hbm>> -> memref<1x2048xf32, #tpu.memory_space<hbm>>
      %dma_wait3A_120 = tpu.memref_squeeze %dma_wait3A_119 : memref<1x2048xf32, #tpu.memory_space<hbm>> -> memref<2048xf32, #tpu.memory_space<hbm>>
      tpu.wait_dma2 semaphore(%run_scoped3A : memref<!tpu.dma_semaphore, #tpu.memory_space<semaphore_mem>>) src(%arg11 : memref<2048xf32, #tpu.memory_space<vmem>>) dst(%dma_wait3A_120 : memref<2048xf32, #tpu.memory_space<hbm>>)
      tpu.yield
    }) : () -> ()
    "tpu.region"() ({
      %run_scoped3A = tpu.sem_alloc : memref<!tpu.dma_semaphore, #tpu.memory_space<semaphore_mem>>
      %dma_start3A_109 = arith.constant 0 : i32
      %dma_start3A_110 = tpu.memref_slice %arg7[%add3A, %dma_start3A_109] : memref<32x2048xf32, #tpu.memory_space<hbm>> -> memref<1x2048xf32, #tpu.memory_space<hbm>>
      %dma_start3A_111 = tpu.memref_squeeze %dma_start3A_110 : memref<1x2048xf32, #tpu.memory_space<hbm>> -> memref<2048xf32, #tpu.memory_space<hbm>>
      %dma_start3A_112 = arith.constant 0 : i32
      %dma_start3A_113 = tpu.memref_slice %arg7[%add3A, %dma_start3A_112] : memref<32x2048xf32, #tpu.memory_space<hbm>> -> memref<1x2048xf32, #tpu.memory_space<hbm>>
      %dma_start3A_114 = tpu.memref_squeeze %dma_start3A_113 : memref<1x2048xf32, #tpu.memory_space<hbm>> -> memref<2048xf32, #tpu.memory_space<hbm>>
      tpu.enqueue_dma source(%arg12 : memref<2048xf32, #tpu.memory_space<vmem>>) target(%dma_start3A_114 : memref<2048xf32, #tpu.memory_space<hbm>>) target_semaphore(%run_scoped3A : memref<!tpu.dma_semaphore, #tpu.memory_space<semaphore_mem>>)
      %dma_wait3A_115 = arith.constant 0 : i32
      %dma_wait3A_116 = tpu.memref_slice %arg7[%add3A, %dma_wait3A_115] : memref<32x2048xf32, #tpu.memory_space<hbm>> -> memref<1x2048xf32, #tpu.memory_space<hbm>>
      %dma_wait3A_117 = tpu.memref_squeeze %dma_wait3A_116 : memref<1x2048xf32, #tpu.memory_space<hbm>> -> memref<2048xf32, #tpu.memory_space<hbm>>
      %dma_wait3A_118 = arith.constant 0 : i32
      %dma_wait3A_119 = tpu.memref_slice %arg7[%add3A, %dma_wait3A_118] : memref<32x2048xf32, #tpu.memory_space<hbm>> -> memref<1x2048xf32, #tpu.memory_space<hbm>>
      %dma_wait3A_120 = tpu.memref_squeeze %dma_wait3A_119 : memref<1x2048xf32, #tpu.memory_space<hbm>> -> memref<2048xf32, #tpu.memory_space<hbm>>
      tpu.wait_dma2 semaphore(%run_scoped3A : memref<!tpu.dma_semaphore, #tpu.memory_space<semaphore_mem>>) src(%arg12 : memref<2048xf32, #tpu.memory_space<vmem>>) dst(%dma_wait3A_120 : memref<2048xf32, #tpu.memory_space<hbm>>)
      tpu.yield
    }) : () -> ()
    return
  }
}

module attributes {stable_mosaic.version = 14 : i64} {
  func.func @_finalize_body(%arg0: memref<32x2048xf32, #tpu.memory_space<vmem>>, %arg1: memref<32x2048xf32, #tpu.memory_space<vmem>>, %arg2: memref<1x1xf32, #tpu.memory_space<vmem>>) attributes {dimension_semantics = [], scalar_prefetch = 0 : i64, scratch_operands = 0 : i64, tpu.core_type = #tpu.core_type<tc>} {
    %get3A = arith.constant 0 : index
    %get3A_0 = arith.constant 0 : index
    %get3A_1 = vector.load %arg0[%get3A, %get3A_0] : memref<32x2048xf32, #tpu.memory_space<vmem>>, vector<32x2048xf32>
    %reshape3A = vector.shape_cast %get3A_1 : vector<32x2048xf32> to vector<32x128x16xf32>
    %reduce_sum3A = arith.constant dense<0.000000e+00> : vector<32x128xf32>
    %reduce_sum3A_2 = vector.multi_reduction <add>, %reshape3A, %reduce_sum3A [2] : vector<32x128x16xf32> to vector<32x128xf32>
    %get3A_3 = arith.constant 0 : index
    %get3A_4 = arith.constant 0 : index
    %get3A_5 = vector.load %arg1[%get3A_3, %get3A_4] : memref<32x2048xf32, #tpu.memory_space<vmem>>, vector<32x2048xf32>
    %reshape3A_6 = vector.shape_cast %get3A_5 : vector<32x2048xf32> to vector<32x128x16xf32>
    %reduce_sum3A_7 = arith.constant dense<0.000000e+00> : vector<32x128xf32>
    %reduce_sum3A_8 = vector.multi_reduction <add>, %reshape3A_6, %reduce_sum3A_7 [2] : vector<32x128x16xf32> to vector<32x128xf32>
    %log3A = math.log %reduce_sum3A_2 : vector<32x128xf32>
    %sub3A = arith.subf %log3A, %reduce_sum3A_8 : vector<32x128xf32>
    %reduce_sum3A_9 = vector.shape_cast %sub3A : vector<32x128xf32> to vector<1x32x128xf32>
    %reduce_sum3A_10 = arith.constant dense<0.000000e+00> : vector<1xf32>
    %reduce_sum3A_11 = vector.multi_reduction <add>, %reduce_sum3A_9, %reduce_sum3A_10 [1, 2] : vector<1x32x128xf32> to vector<1xf32>
    %reduce_sum3A_12 = vector.shape_cast %reduce_sum3A_11 : vector<1xf32> to vector<1x1x1xf32>
    %reduce_sum3A_13 = vector.extract %reduce_sum3A_12[0, 0, 0] : f32 from vector<1x1x1xf32>
    %div3A = arith.constant 4.096000e+03 : f32
    %div3A_14 = arith.divf %reduce_sum3A_13, %div3A : f32
    %broadcast_in_dim3A = vector.broadcast %div3A_14 : f32 to vector<1x1xf32>
    %swap3A = arith.constant 0 : index
    %swap3A_15 = arith.constant 0 : index
    %swap3A_16 = vector.load %arg2[%swap3A, %swap3A_15] : memref<1x1xf32, #tpu.memory_space<vmem>>, vector<1x1xf32>
    tpu.vector_store %arg2[%swap3A, %swap3A_15], %broadcast_in_dim3A {strides = array<i32>} : memref<1x1xf32, #tpu.memory_space<vmem>>, vector<1x1xf32>,
    return
  }
}

</mosaic_0001>

<sc_bundles>
// kernel: _bigram_forward.4.cloned.1.call-start
scs
__scs_entry_jumppad:
0x0: {  	(pc) =	sbr.rel $0x88, $3  }
0x1: {  	(tag) =	ssettag $0x0;
	lr =	simm.s32 $0x1  }
0x2: {  	[smem:$0x3F9E] =	sst lr;
	_ =	strace $0xD0000000  }
0x3: {  	_ = 	snop  }
0x4: {  	_ = 	snop  }
0x5: {  	_ = 	snop  }
0x6: {  	_ = 	snop  }
0x7: {  	_ = 	snop  }
__scs_overlays_trampoline_lowered:
0x8: {  	[smem:$0x3FAD] =	sst s0  }
0x9: {  	[smem:$0x3FAE] =	sst s1  }
0xa: {  	[smem:$0x3FAF] =	sst s2  }
0xb: {  	[smem:$0x3FB0] =	sst s3  }
0xc: {  	[smem:$0x3FB1] =	sst s4  }
0xd: {  	[smem:$0x3FB2] =	sst s5  }
0xe: {  	[smem:$0x3FB3] =	sst s6  }
0xf: {  	[smem:$0x3FB4] =	sst s7  }
0x10: {  	[smem:$0x3FB5] =	sst s8  }
0x11: {  	[smem:$0x3FB6] =	sst s9;
	s0 =	simm.s32 @!p0 $0x0  }
0x12: {  	s1 =	sld [smem:$0x3F9C];
	s0 =	simm.s32 @p0 $0x1  }
0x13: {  	[smem:$0x3FB7] =	sst s0;
	s0 =	simm.s32 @!p1 $0x0  }
0x14: {  	s2 =	sld [smem:$0x3F9B];
	s0 =	simm.s32 @p1 $0x1  }
0x15: {  	[smem:$0x3FB8] =	sst s0;
	s0 =	simm.s32 @!p2 $0x0  }
0x16: {  	s3 =	sld [smem:$0x3FDB];
	s0 =	simm.s32 @p2 $0x1  }
0x17: {  	s4 =	simm.s32 $0x1BF5;
	[smem:$0x3FBA] =	sst s0  }
0x18: {  	s0 =	sld [smem:$0x3F9D];
	_ =	swait.ge [sflag:s4], $0x0  }
0x19: {  	s7 =	sld [smem:$0x3F9E]  }
0x1a: {  	s8 =	sadd.s32 $0xFFFFE003, lr  }
0x1b: {  	s9 =	sadd.s32 $0xFFFFFEF7, lr;
	s5 =	simm.s32 $0xFFFFFFFF;
	p2 =	slt.u32 s8, $0xFFFFF086  }
0x1c: {  	p1 =	slt.u32 s9, $0xF7A;
	s5 =	simm.s32 @!p2 $0x0  }
0x1d: {  	s5 =	simm.s32 @p1 $0x1;
	p0 =	seq.s32 s7, s2  }
0x1e: {  	s7 =	smul.u32 @!p0 $0xF7A, s2;
	p2 =	seq.s32 @!p0 s5, $0x0  }
0x1f: {  	s9 =	smul.u32 $0xF7A, s1;
	s8 =	simm.s32 @!p0 $0x1BF5;
	p2 =	por !p2, p0  }
0x20: {  	[sflag:s8] =	ssyncset.s32 @!p0 $0xFFFFF086;
	s6 =	sadd.s32 @!p0 s3, s7;
	s7 =	simm.s32 @!p0 $0x108  }
0x21: {  	s3 =	sadd.s32 s3, s9;
	s6 =	sadd.s32 @!p0 $0x88, s6;
	s7 =	simm.s32 @p2 $0x1082  }
0x22: {  	[simem:s7], [sflag:s8] =	dma.local @!p0 [hbm:s6], $0xF7A  }
0x23: {  	s9 =	sor.u32 $0xD0000000, s2;
	s6 =	simm.s32 $0x108;
	_ =	swait.ge @!p0 [sflag:s8], $0x0  }
0x24: {  	s3 =	sadd.s32 $0x88, s3;
	s6 =	simm.s32 @!p1 $0x1082;
	[sflag:s4] =	ssyncset.s32 $0xFFFFF086  }
0x25: {  	[simem:s6], [sflag:s4] =	dma.local [hbm:s3], $0xF7A  }
0x26: {  	[smem:$0x3F9E] =	sst s1;
	(tag) =	ssettag s2;
	_ =	strace s9  }
0x27: {  	s1 =	sld [smem:$0x3FAE]  }
0x28: {  	s2 =	sld [smem:$0x3FAF]  }
0x29: {  	s4 =	sld [smem:$0x3FB1]  }
0x2a: {  	p0 =	seq.s32 s5, $0x0;
	s5 =	sld [smem:$0x3FB2]  }
0x2b: {  	s6 =	sld [smem:$0x3FB3]  }
0x2c: {  	s7 =	sld [smem:$0x3FB4]  }
0x2d: {  	s3 =	simm.s32 $0x108;
	s8 =	sld [smem:$0x3FB5]  }
0x2e: {  	s3 =	simm.s32 @!p0 $0x1082;
	s9 =	sld [smem:$0x3FB6]  }
0x2f: {  	lr =	sadd.s32 s0, s3;
	s0 =	sld [smem:$0x3FAD]  }
0x30: {  	s3 =	sld [smem:$0x3FB0]  }
0x31: {  	[smem:$0x3FB9] =	sst s10  }
0x32: {  	s10 =	sld [smem:$0x3FB7];
	_ =	sdelay $0x3  }
0x33: {  	p0 =	seq.s32 s10, $0x1;
	s10 =	sld [smem:$0x3FB9];
	_ =	sdelay $0x3  }
0x34: {  	[smem:$0x3FB9] =	sst s10  }
0x35: {  	s10 =	sld [smem:$0x3FB8];
	_ =	sdelay $0x3  }
0x36: {  	p1 =	seq.s32 s10, $0x1;
	s10 =	sld [smem:$0x3FB9];
	_ =	sdelay $0x3  }
0x37: {  	[smem:$0x3FB9] =	sst s10  }
0x38: {  	s10 =	sld [smem:$0x3FBA]  }
0x39: {  	_ = 	snop;
	(pc) =	sbr.ind lr, $3  }
0x3a: {  	_ = 	snop  }
0x3b: {  	_ = 	snop  }
0x3c: {  	p2 =	seq.s32 s10, $0x1;
	s10 =	sld [smem:$0x3FB9]  }
0x3d: {  	_ =	shalt  }
0x3e: {  	_ =	shalt  }
0x3f: {  	_ =	shalt  }
0x40: {  	_ =	shalt  }
0x41: {  	_ =	shalt  }
0x42: {  	_ =	shalt  }
0x43: {  	_ =	shalt  }
0x44: {  	_ =	shalt  }
0x45: {  	_ =	shalt  }
0x46: {  	_ =	shalt  }
0x47: {  	_ =	shalt  }
0x48: {  	_ =	shalt  }
0x49: {  	_ =	shalt  }
0x4a: {  	_ =	shalt  }
0x4b: {  	_ =	shalt  }
0x4c: {  	_ =	shalt  }
0x4d: {  	_ =	shalt  }
0x4e: {  	_ =	shalt  }
0x4f: {  	_ =	shalt  }
0x50: {  	_ =	shalt  }
0x51: {  	_ =	shalt  }
0x52: {  	_ =	shalt  }
0x53: {  	_ =	shalt  }
0x54: {  	_ =	shalt  }
0x55: {  	_ =	shalt  }
0x56: {  	_ =	shalt  }
0x57: {  	_ =	shalt  }
0x58: {  	_ =	shalt  }
0x59: {  	_ =	shalt  }
0x5a: {  	_ =	shalt  }
0x5b: {  	_ =	shalt  }
0x5c: {  	_ =	shalt  }
0x5d: {  	_ =	shalt  }
0x5e: {  	_ =	shalt  }
0x5f: {  	_ =	shalt  }
0x60: {  	_ =	shalt  }
0x61: {  	_ =	shalt  }
0x62: {  	_ =	shalt  }
0x63: {  	_ =	shalt  }
0x64: {  	_ =	shalt  }
0x65: {  	_ =	shalt  }
0x66: {  	_ =	shalt  }
0x67: {  	_ =	shalt  }
0x68: {  	_ =	shalt  }
0x69: {  	_ =	shalt  }
0x6a: {  	_ =	shalt  }
0x6b: {  	_ =	shalt  }
0x6c: {  	_ =	shalt  }
0x6d: {  	_ =	shalt  }
0x6e: {  	_ =	shalt  }
0x6f: {  	_ =	shalt  }
0x70: {  	_ =	shalt  }
0x71: {  	_ =	shalt  }
0x72: {  	_ =	shalt  }
0x73: {  	_ =	shalt  }
0x74: {  	_ =	shalt  }
0x75: {  	_ =	shalt  }
0x76: {  	_ =	shalt  }
0x77: {  	_ =	shalt  }
0x78: {  	_ =	shalt  }
0x79: {  	_ =	shalt  }
0x7a: {  	_ =	shalt  }
0x7b: {  	_ =	shalt  }
0x7c: {  	_ =	shalt  }
0x7d: {  	_ =	shalt  }
0x7e: {  	_ =	shalt  }
0x7f: {  	_ =	shalt  }
0x80: {  	_ =	shalt  }
0x81: {  	_ =	shalt  }
0x82: {  	_ =	shalt  }
0x83: {  	_ =	shalt  }
0x84: {  	_ =	shalt  }
0x85: {  	_ =	shalt  }
0x86: {  	_ =	shalt  }
0x87: {  	_ =	shalt  }
.Lfunc_end0:
.L_simem_size_0:
called_computation_lowered:
.L_overlay_start_0:
0x88: {  	s2 =	sld [smem:$0x3FD9]  }
0x89: {  	s3 =	sld [smem:$0x3FFE];
	_ =	sdelay $0x1  }
0x8a: {  	s1 =	srdreg.scid  }
0x8b: {  	s0 =	sand.u32 $0x1, s1  }
0x8c: {  	s14 =	sshll.u32 s0, $0xA;
	s2 =	sadd.s32 s3, s2  }
0x8d: {  	s2 =	sadd.s32 s2, s14  }
0x8e: {  	[smem:$0x3FC5] =	sst s2  }
0x8f: {  	_ = 	snop  }
0x90: {  	s2 =	sld [smem:$0x3FD0];
	_ =	sdelay $0x2  }
0x91: {  	s4 =	simm.s32 $0xA;
	s5 =	simm.s32 $0x10;
	s15 =	sld [smem:$0x3FC9]  }
0x92: {  	[smem:s5], [sflag:s4] =	dma.local [hbm:s2], $0x1  }
0x93: {  	_ =	swait.eq [sflag:s4], $0x1  }
0x94: {  	[sflag:s4] =	ssyncset.done $0x0  }
0x95: {  	[sflag:s4] =	ssyncadd.s32 $0xFFFFFFFF  }
0x96: {  	s16 =	sld [smem:$0x10];
	(tm) =	ssettm $0x1  }
0x97: {  	s17 =	sld [smem:$0x3FFB];
	_ =	sdelay $0x3  }
0x98: {  	_ =	strace s17  }
0x99: {  	s4 =	sld [smem:$0x3FFC];
	_ =	sdelay $0x3  }
0x9a: {  	_ =	strace s4  }
0x9b: {  	s4 =	sld [smem:$0x3FFD];
	_ =	sdelay $0x3  }
0x9c: {  	_ =	strace s4  }
0x9d: {  	_ =	strace $0x8FFFFFFF  }
0x9e: {  	s18 =	sld [smem:$0x3FDB];
	_ =	sdelay $0x1  }
0x9f: {  	s19 =	simm.s32 $_scs_section_size  }
0xa0: {  	s6 =	simm.s32 $_size__tile_overlayer_lowered;
	s7 =	simm.s32 $_tile_overlayer_lowered  }
0xa1: {  	s22 =	simm.s32 $0x1BFF;
	s21 =	sshll.u32 s7, $0x1;
	s4 =	sadd.s32 s19, s18  }
0xa2: {  	s8 =	simm.s32 $0x0;
	s20 =	sshll.u32 s6, $0x1;
	s6 =	sadd.s32 s21, s4  }
0xa3: {  	[timem:s8], [sflag:s22] =	dma.local [hbm:s6], s20  }
0xa4: {  	_ =	swait.ge [sflag:s22], s20  }
0xa5: {  	s5 =	ssub.s32 $0x0, s20;
	[sflag:s22] =	ssyncset.done $0x0  }
0xa6: {  	[sflag:s22] =	ssyncadd.s32 s5;
	_ =	sdelay $0x1  }
0xa7: {  	s23 =	simm.s32 $0x1B8B  }
0xa8: {  	_ =	swait.ge [sflag:s23], $0x1  }
0xa9: {  	[sflag:s23] =	ssyncset.done $0x0  }
0xaa: {  	s25 =	simm.s32 $0x1B8E;
	s24 =	sld [smem:$0x3FFE];
	[sflag:s23] =	ssyncadd.s32 $0xFFFFFFFF  }
0xab: {  	s26 =	simm.s32 $execute0_lowered;
	[smem:$0x3FD2] =	sst s25  }
0xac: {  	s6 =	sshll.u32 s26, $0x1;
	_ =	strace $0x80000046;
	[dreg:$0x1] =	wrdreg $0xFFFFFFFF  }
0xad: {  	s28 =	simm.s32 $_size_execute0_lowered;
	s4 =	sadd.s32 s4, s6;
	[dreg:$0x0] =	wrdreg $0x0  }
0xae: {  	s6 =	sshll.u32 s28, $0x1;
	[dreg:$0x2] =	wrdreg s4  }
0xaf: {  	[dreg:$0x3] =	wrdreg s6  }
0xb0: {  	[dreg:$0x4] =	wrdreg $0xC0  }
0xb1: {  	_ =	task [dreg:s8], $0x5FFFF  }
0xb2: {  	[dreg:$0x1] =	wrdreg $0xFFFFFFFF  }
0xb3: {  	[dreg:$0x0] =	wrdreg $0x60  }
0xb4: {  	[dreg:$0x2] =	wrdreg s15  }
0xb5: {  	[dreg:$0x3] =	wrdreg s24  }
0xb6: {  	[dreg:$0x4] =	wrdreg s16  }
0xb7: {  	[dreg:$0x5] =	wrdreg $0x9  }
0xb8: {  	_ =	task.clear_ibuf [dreg:s8], $0x6FFFF;
	_ =	strace $0x90000046  }
0xb9: {  	s29 =	simm.s32 $0x9;
	_ =	strace $0x80000048  }
0xba: {  	_ =	swait.ge [sflag:s29], $0x1  }
0xbb: {  	[sflag:s29] =	ssyncadd.s32 $0xFFFFFFFF  }
0xbc: {  	_ =	strace $0x90000048  }
0xbd: {  	_ =	sfence  }
0xbe: {  	s30 =	sld [smem:$0x0];
	_ =	sdelay $0x2  }
0xbf: {  	s31 =	sshll.u32 s1, $0xD;
	s1 =	sshrl.u32 s1, $0x2  }
0xc0: {  	s3 =	sand.u32 $0x4000, s31;
	s1 =	sadd.s32 s1, s30  }
0xc1: {  	s0 =	sor.u32 s3, s0;
	s1 =	sshll.u32 s1, $0x11  }
0xc2: {  	s0 =	sor.u32 s1, s0  }
0xc3: {  	s0 =	sadd.s32 $0x8F2B, s0  }
0xc4: {  	[sflag:s0] =	ssyncadd.remote.s32 $0x1  }
0xc5: {  	_ =	sfence.sel $0xFFFF  }
0xc6: {  	[dreg:$0x0] =	wrdreg $0xFFFFFFFF;
	(pc) =	sbr.abs _section_cstart, $3  }
0xc7: {  	[dreg:$0x1] =	wrdreg $0xFFFFFFFF  }
0xc8: {  	_ =	task.clear_ibuf [dreg:s8], $0x2FFFF;
	_ =	strace $0x9FFFFFFF  }
0xc9: {  	(tm) =	ssettm $0x7FFFFFFF  }
tec
execute0_lowered:
.L_overlay_start_1:
0x0: {  	(tag) =	ssettag $0x1  }
0x1: {  	s1 =	rddreg [dreg:$0x0]  }
0x2: {  	s0 =	rddreg [dreg:$0x1];
	s2 =	srdreg.scid  }
0x3: {  	s6 =	stileid.u32;
	s4 =	rddreg [dreg:$0x2];
	s3 =	simm.s32 $0x0  }
0x4: {  	s17 =	simm.s32 $0x9;
	s20 =	simm.s32 $0x100;
	s21 =	simm.s32 $0x400  }
0x5: {  	s22 =	simm.s32 $0x5;
	s23 =	simm.s32 $0x6;
	s30 =	simm.s32 $0x0  }
0x6: {  	s2 =	sand.u32 $0x1, s2;
	s5 =	sshll.u32 s6, $0x1;
	[smem:$0x7FF] =	sst s3  }
0x7: {  	s24 =	sshll.u32 s6, $0x9;
	s8 =	sadd.s32 $0xC00, s1;
	s9 =	sadd.s32 $0x1000, s1  }
0x8: {  	s10 =	sadd.s32 $0x1400, s1;
	s11 =	sadd.s32 $0x1800, s1;
	s12 =	sor.u32 s2, s5  }
0x9: {  	_ =	strace $0x80000047;
	s2 =	ssub.s32 $0x2, s2;
	s25 =	sshll.u32 s12, $0x4  }
0xa: {  	s26 =	sshll.u32 s12, $0xA;
	s7 =	sshrl.u32 s2, $0x1;
	s13 =	sshll.u32 s12, $0x11  }
0xb: {  	s12 =	sadd.s32 $0x1C00, s1;
	s5 =	sor.u32 s24, s25;
	s6 =	sadd.s32 s26, s0  }
0xc: {  	s2 =	ssub.s32 s2, s7;
	s7 =	sadd.s32 $0x800, s1;
	s13 =	sadd.s32 s4, s13  }
0xd: {  	s24 =	simm.s32 $0x7;
	s5 =	sand.u32 $0x1870, s5;
	s28 =	sadd.s32 $0xC00, s6  }
0xe: {  	s29 =	sadd.s32 $0x8C00, s6;
	s0 =	sadd.s32 s5, s0;
	[dreg:$0x4] =	wrdreg s28  }
0xf: {  	v0 =	vlaneseq.u32;
	s25 =	simm.s32 $0x8;
	[dreg:$0x5] =	wrdreg s29;
	s31 =	sadd.s32 $0x10C00, s0  }
0x10: {  	v2 =	vshrl.u32 v0, $0x1;
	s26 =	simm.s32 $0x80;
	s0 =	sadd.s32 $0x12C00, s0;
	[dreg:$0x6] =	wrdreg s31  }
0x11: {  	vm0 =	vmmov $0xffff;
	v1 =	vand.u32 $0x1, v0;
	v2 =	vmul.u32 $0x8, v2;
	s6 =	sadd.s32 $0x400, s1;
	s16 =	smax.u32 s2, $0x1;
	[dreg:$0x7] =	wrdreg s0  }
.LBB2_1:
0x12: {  	s0 =	rddreg [dreg:$0x4]  }
0x13: {  	[tilespmem:s3], [sflag:$0x9] =	stream.linear.gather [hbm4b:s0+s3], $0x2000, $0x38;
	[tilespmem:$0x15000] =	vst v63  }
0x14: {  	_ =	swait.ge [sflag:s17], $0x2000  }
0x15: {  	[sflag:s17] =	ssyncset.done $0x0  }
0x16: {  	s2 =	simm.s32 $0x2000;
	s4 =	rddreg [dreg:$0x5];
	[sflag:s17] =	ssyncadd.s32 $0xFFFFE000  }
0x17: {  	[tilespmem:s2], [sflag:$0x9] =	stream.linear.gather [hbm4b:s4+s3], $0x2000, $0x38;
	[tilespmem:$0x15000] =	vst v63  }
0x18: {  	_ =	swait.ge [sflag:s17], $0x2000  }
0x19: {  	[sflag:s17] =	ssyncset.done $0x0  }
0x1a: {  	[sflag:s17] =	ssyncadd.s32 $0xFFFFE000  }
0x1b: {  	v3 =	vld.msk [tilespmem:$0x0], $0x3;
	_ =	sdelay $0x4  }
0x1c: {  	v4 =	vshll.u32 v3, $0x6  }
0x1d: {  	v3 =	vand.u32 $0x7, v3;
	v4 =	vand.u32 $0xFFFFFE00, v4  }
0x1e: {  	v3 =	vor.u32 v3, v4  }
0x1f: {  	v3 =	vperm.xlane v3, v1;
	_ =	sdelay $0x1  }
0x20: {  	v3 =	vadd.s32 v2, v3;
	_ =	sdelay $0x3  }
0x21: {  	s5 =	simm.s32 $0x4000  }
0x22: {  	[tilespmem:s5], [sflag:$0x1] =	stream.indirect_vreg.gather [hbm4b:s1+s3], $0x80, v3, vm0, $0xb8;
	[tilespmem:$0x15000] =	vst v63  }
0x23: {  	s14 =	simm.s32 $0x4800  }
0x24: {  	[tilespmem:s14], [sflag:$0x1] =	stream.indirect_vreg.gather [hbm4b:s6+s3], $0x80, v3, vm0, $0xb8;
	[tilespmem:$0x15000] =	vst v63  }
0x25: {  	s15 =	simm.s32 $0x5000  }
0x26: {  	[tilespmem:s15], [sflag:$0x1] =	stream.indirect_vreg.gather [hbm4b:s7+s3], $0x80, v3, vm0, $0xb8;
	[tilespmem:$0x15000] =	vst v63  }
0x27: {  	s18 =	simm.s32 $0x5800  }
0x28: {  	[tilespmem:s18], [sflag:$0x1] =	stream.indirect_vreg.gather [hbm4b:s8+s3], $0x80, v3, vm0, $0xb8;
	[tilespmem:$0x15000] =	vst v63  }
0x29: {  	s19 =	simm.s32 $0x6000  }
0x2a: {  	[tilespmem:s19], [sflag:$0x1] =	stream.indirect_vreg.gather [hbm4b:s9+s3], $0x80, v3, vm0, $0xb8;
	[tilespmem:$0x15000] =	vst v63  }
0x2b: {  	s28 =	simm.s32 $0x6800  }
0x2c: {  	[tilespmem:s28], [sflag:$0x1] =	stream.indirect_vreg.gather [hbm4b:s10+s3], $0x80, v3, vm0, $0xb8;
	[tilespmem:$0x15000] =	vst v63  }
0x2d: {  	s29 =	simm.s32 $0x7000  }
0x2e: {  	[tilespmem:s29], [sflag:$0x1] =	stream.indirect_vreg.gather [hbm4b:s11+s3], $0x80, v3, vm0, $0xb8;
	[tilespmem:$0x15000] =	vst v63  }
0x2f: {  	s2 =	simm.s32 $0x7800  }
0x30: {  	[tilespmem:s2], [sflag:$0x1] =	stream.indirect_vreg.gather [hbm4b:s12+s3], $0x80, v3, vm0, $0xb8;
	[tilespmem:$0x15000] =	vst v63  }
0x31: {  	v3 =	vld.msk [tilespmem:$0x80], $0x3;
	_ =	sdelay $0x4  }
0x32: {  	v63 =	vshll.u32 v3, $0x6  }
0x33: {  	v3 =	vand.u32 $0x7, v3;
	v4 =	vand.u32 $0xFFFFFE00, v63  }
0x34: {  	v3 =	vor.u32 v3, v4  }
0x35: {  	v3 =	vperm.xlane v3, v1;
	_ =	sdelay $0x1  }
0x36: {  	v3 =	vadd.s32 v2, v3;
	_ =	sdelay $0x3  }
0x37: {  	s4 =	simm.s32 $0x8000  }
0x38: {  	[tilespmem:s4], [sflag:$0x2] =	stream.indirect_vreg.gather [hbm4b:s1+s3], $0x80, v3, vm0, $0xb8;
	[tilespmem:$0x15000] =	vst v63  }
0x39: {  	s5 =	simm.s32 $0x8800  }
0x3a: {  	[tilespmem:s5], [sflag:$0x2] =	stream.indirect_vreg.gather [hbm4b:s6+s3], $0x80, v3, vm0, $0xb8;
	[tilespmem:$0x15000] =	vst v63  }
0x3b: {  	s14 =	simm.s32 $0x9000  }
0x3c: {  	[tilespmem:s14], [sflag:$0x2] =	stream.indirect_vreg.gather [hbm4b:s7+s3], $0x80, v3, vm0, $0xb8;
	[tilespmem:$0x15000] =	vst v63  }
0x3d: {  	s15 =	simm.s32 $0x9800  }
0x3e: {  	[tilespmem:s15], [sflag:$0x2] =	stream.indirect_vreg.gather [hbm4b:s8+s3], $0x80, v3, vm0, $0xb8;
	[tilespmem:$0x15000] =	vst v63  }
0x3f: {  	s18 =	simm.s32 $0xA000  }
0x40: {  	[tilespmem:s18], [sflag:$0x2] =	stream.indirect_vreg.gather [hbm4b:s9+s3], $0x80, v3, vm0, $0xb8;
	[tilespmem:$0x15000] =	vst v63  }
0x41: {  	s19 =	simm.s32 $0xA800  }
0x42: {  	[tilespmem:s19], [sflag:$0x2] =	stream.indirect_vreg.gather [hbm4b:s10+s3], $0x80, v3, vm0, $0xb8;
	[tilespmem:$0x15000] =	vst v63  }
0x43: {  	s28 =	simm.s32 $0xB000  }
0x44: {  	[tilespmem:s28], [sflag:$0x2] =	stream.indirect_vreg.gather [hbm4b:s11+s3], $0x80, v3, vm0, $0xb8;
	[tilespmem:$0x15000] =	vst v63  }
0x45: {  	s31 =	simm.s32 $0x0;
	s29 =	simm.s32 $0xB800;
	s2 =	simm.s32 $0x0  }
0x46: {  	[tilespmem:s29], [sflag:$0x2] =	stream.indirect_vreg.gather [hbm4b:s12+s3], $0x80, v3, vm0, $0xb8;
	[tilespmem:$0x15000] =	vst v63  }
.LBB2_2:
0x47: {  	s4 =	sand.u32 $0x3, s2;
	s29 =	sshll.u32 s2, $0xB;
	s0 =	sshll.u32 s2, $0x5  }
0x48: {  	p0 =	sgt.u32 s2, $0x3D;
	s18 =	sshll.u32 s4, $0xE;
	s28 =	sadd.s32 $0x1, s4  }
0x49: {  	s29 =	sand.u32 $0x1E000, s29;
	s5 =	sand.u32 $0x60, s0;
	_ =	swait.ge [sflag:s28], $0x4000  }
0x4a: {  	s4 =	sadd.s32 $0x5, s4;
	s29 =	sadd.s32 s29, s13;
	[sflag:s28] =	ssyncset.done $0x0  }
0x4b: {  	s19 =	sadd.s32 $0x4000, s18;
	s5 =	sadd.s32 s5, s29;
	[sflag:s28] =	ssyncadd.s32 $0xFFFFC000  }
0x4c: {  	[hbm4b:s5+s20] =	stream.strided.scatter [tilespmem:s19], [sflag:s4], $0x4000, s21, s20, $0x38;
	[tilespmem:$0x15000] =	vst v63  }
0x4d: {  	p1 =	slt.u32 @!p0 s2, $0x2;
	s4 =	sadd.s32 $0x2, s2  }
0x4e: {  	p1 =	por p1, p0;
	s5 =	sand.u32 $0x3, s4  }
0x4f: {  	s28 =	sadd.s32 @!p1 $0x5, s5  }
0x50: {  	_ =	swait.ge @!p1 [sflag:s28], $0x4000  }
0x51: {  	s4 =	sshll.u32 @!p0 s4, $0x7;
	[sflag:s28] =	ssyncset.done @!p1 $0x0  }
0x52: {  	s4 =	sand.u32 @!p0 $0x3FFFFF80, s4;
	[sflag:s28] =	ssyncadd.s32 @!p1 $0xFFFFC000  }
0x53: {  	v3 =	vld.msk @!p0 [tilespmem:s4+$0x0], $0x3;
	_ =	sdelay $0x4  }
0x54: {  	v4 =	vshll.u32 @!p0 v3, $0x6  }
0x55: {  	v5 =	vlaneseq.u32 @!p0;
	v3 =	vand.u32 @!p0 $0x7, v3;
	v4 =	vand.u32 @!p0 $0xFFFFFE00, v4  }
0x56: {  	v3 =	vor.u32 @!p0 v3, v4;
	v4 =	vand.u32 @!p0 $0x1, v5;
	v5 =	vshrl.u32 @!p0 v5, $0x1  }
0x57: {  	v3 =	vperm.xlane @!p0 v3, v4;
	v4 =	vmul.u32 @!p0 $0x8, v5;
	_ =	sdelay $0x1  }
0x58: {  	v3 =	vadd.s32 @!p0 v4, v3;
	_ =	sdelay $0x2  }
0x59: {  	s4 =	sshll.u32 @!p0 s5, $0xE  }
0x5a: {  	vm1 =	vmmov @!p0 $0xffff;
	s29 =	simm.s32 @!p0 $0x0;
	s5 =	sadd.s32 @!p0 $0x1, s5;
	s28 =	sadd.s32 @!p0 $0x4000, s4  }
0x5b: {  	[tilespmem:s28], [sflag:s5] =	stream.indirect_vreg.gather @!p0 [hbm4b:s1+s29], $0x80, v3, vm1, $0xb8;
	[tilespmem:$0x15000] =	vst v63  }
0x5c: {  	s28 =	sadd.s32 @!p0 $0x4800, s4  }
0x5d: {  	[tilespmem:s28], [sflag:s5] =	stream.indirect_vreg.gather @!p0 [hbm4b:s6+s29], $0x80, v3, vm1, $0xb8;
	[tilespmem:$0x15000] =	vst v63  }
0x5e: {  	s28 =	sadd.s32 @!p0 $0x5000, s4  }
0x5f: {  	[tilespmem:s28], [sflag:s5] =	stream.indirect_vreg.gather @!p0 [hbm4b:s7+s29], $0x80, v3, vm1, $0xb8;
	[tilespmem:$0x15000] =	vst v63  }
0x60: {  	s14 =	sadd.s32 @!p0 $0x5800, s4;
	s28 =	sshll.u32 s31, $0xE  }
0x61: {  	[tilespmem:s14], [sflag:s5] =	stream.indirect_vreg.gather @!p0 [hbm4b:s8+s29], $0x80, v3, vm1, $0xb8;
	[tilespmem:$0x15000] =	vst v63  }
0x62: {  	s28 =	sand.u32 $0xC000, s28;
	s14 =	sadd.s32 @!p0 $0x6000, s4  }
0x63: {  	[tilespmem:s14], [sflag:s5] =	stream.indirect_vreg.gather @!p0 [hbm4b:s9+s29], $0x80, v3, vm1, $0xb8;
	[tilespmem:$0x15000] =	vst v63  }
0x64: {  	s15 =	sadd.s32 @!p0 $0x6800, s4;
	s14 =	sadd.s32 $0x4040, s28  }
0x65: {  	[tilespmem:s15], [sflag:s5] =	stream.indirect_vreg.gather @!p0 [hbm4b:s10+s29], $0x80, v3, vm1, $0xb8;
	[tilespmem:$0x15000] =	vst v63  }
0x66: {  	v4 =	vmov s14;
	s15 =	sadd.s32 @!p0 $0x7000, s4  }
0x67: {  	[tilespmem:s15], [sflag:s5] =	stream.indirect_vreg.gather @!p0 [hbm4b:s11+s29], $0x80, v3, vm1, $0xb8;
	[tilespmem:$0x15000] =	vst v63  }
0x68: {  	s4 =	sadd.s32 @!p0 $0x7800, s4  }
0x69: {  	[tilespmem:s4], [sflag:s5] =	stream.indirect_vreg.gather @!p0 [hbm4b:s12+s29], $0x80, v3, vm1, $0xb8;
	[tilespmem:$0x15000] =	vst v63  }
0x6a: {  	s5 =	simm.s32 $0x0  }
0x6b: {  	v3 =	vld.idx.msk [tilespmem:v4+s5+$0xFFFFFFC0 ss:$0x1], $0xffff;
	_ =	sdelay $0x1  }
0x6c: {  	v5 =	vld.idx.msk [tilespmem:v4+s5+$0xFFFFFFD0 ss:$0x1], $0xffff;
	_ =	sdelay $0x1  }
0x6d: {  	v6 =	vld.idx.msk [tilespmem:v4+s5+$0xFFFFFFE0 ss:$0x1], $0xffff  }
0x6e: {  	v3 =	vmul.f32 $1.442695020e+00, v3  }
0x6f: {  	v7 =	vld.idx.msk [tilespmem:v4+s5+$0xFFFFFFF0 ss:$0x1], $0xffff  }
0x70: {  	v5 =	vmul.f32 $1.442695020e+00, v5;
	(erf) = vpow2.f32 v3  }
0x71: {  	v3 =	vld.idx.msk [tilespmem:v4+s5+$0x0 ss:$0x1], $0xffff  }
0x72: {  	v6 =	vmul.f32 $1.442695020e+00, v6;
	(erf) = vpow2.f32 v5;
	v5 =	vld.idx.msk [tilespmem:v4+s5+$0x10 ss:$0x1], $0xffff;
	_ =	sdelay $0x1  }
0x73: {  	v7 =	vmul.f32 $1.442695020e+00, v7;
	(erf) = vpow2.f32 v6;
	v6 =	vld.idx.msk [tilespmem:v4+s5+$0x20 ss:$0x1], $0xffff  }
0x74: {  	v8 =	vld.idx.msk [tilespmem:v4+s5+$0x30 ss:$0x1], $0xffff  }
0x75: {  	(erf) = vpow2.f32 v7;
	v3 =	vmul.f32 $1.442695020e+00, v3  }
0x76: {  	v5 =	vmul.f32 $1.442695020e+00, v5  }
0x77: {  	(erf) = vpow2.f32 v3  }
0x78: {  	s14 =	simm.s32 $0x100;
	v3 =	vimm.f32 $0.0e+00;
	v6 =	vmul.f32 $1.442695020e+00, v6;
	v7 =	vpop (erf)  }
0x79: {  	(erf) = vpow2.f32 v5;
	v3 =	vadd.f32 v7, v3;
	v7 =	vmul.f32 $1.442695020e+00, v8;
	v8 =	vld.idx.msk [tilespmem:v4+s14+$0xFFFFFFC0 ss:$0x1], $0xffff  }
0x7a: {  	v5 =	vpop (erf)  }
0x7b: {  	v3 =	vadd.f32 v5, v3;
	v5 =	vld.idx.msk [tilespmem:v4+s14+$0xFFFFFFD0 ss:$0x1], $0xffff  }
0x7c: {  	(erf) = vpow2.f32 v6;
	v6 =	vpop (erf)  }
0x7d: {  	(erf) = vpow2.f32 v7;
	v7 =	vld.idx.msk [tilespmem:v4+s14+$0xFFFFFFE0 ss:$0x1], $0xffff;
	v3 =	vadd.f32 v6, v3  }
0x7e: {  	v9 =	vpop (erf);
	v8 =	vmul.f32 $1.442695020e+00, v8  }
0x7f: {  	v6 =	vld.idx.msk [tilespmem:v4+s14+$0xFFFFFFF0 ss:$0x1], $0xffff;
	v3 =	vadd.f32 v9, v3  }
0x80: {  	v10 =	vpop (erf);
	v5 =	vmul.f32 $1.442695020e+00, v5;
	(erf) = vpow2.f32 v8  }
0x81: {  	v9 =	vld.idx.msk [tilespmem:v4+s14+$0x0 ss:$0x1], $0xffff;
	v10 =	vadd.f32 v10, v3  }
0x82: {  	v8 =	vmul.f32 $1.442695020e+00, v7;
	v11 =	vpop (erf);
	(erf) = vpow2.f32 v5  }
0x83: {  	v7 =	vld.idx.msk [tilespmem:v4+s14+$0x10 ss:$0x1], $0xffff;
	v10 =	vadd.f32 v11, v10  }
0x84: {  	s15 =	sshll.u32 s2, $0x7;
	v12 =	vmul.f32 $1.442695020e+00, v6;
	(erf) = vpow2.f32 v8  }
0x85: {  	s5 =	sand.u32 $0x3FFFFF80, s15;
	v6 =	vld.idx.msk [tilespmem:v4+s14+$0x20 ss:$0x1], $0xffff;
	v11 =	vpop (erf)  }
0x86: {  	v3 =	vld [tilespmem:s5+$0x2000];
	v8 =	vmul.f32 $1.442695020e+00, v9;
	(erf) = vpow2.f32 v12;
	v9 =	vadd.f32 v11, v10  }
0x87: {  	s28 =	sadd.s32 $0x4080, s28;
	s29 =	simm.s32 $0x200;
	s4 =	simm.s32 $0xC00;
	v5 =	vld.idx.msk [tilespmem:v4+s14+$0x30 ss:$0x1], $0xffff;
	v10 =	vpop (erf)  }
.LBB2_3:
0x88: {  	p0 =	sne.s32 s4, $0xFC00;
	v11 =	vld.idx.msk [tilespmem:v4+s29+$0xFFFFFFC0 ss:$0x1], $0xffff;
	v12 =	vmul.f32 $1.442695020e+00, v7;
	(erf) = vpow2.f32 v8;
	v8 =	vadd.f32 v10, v9  }
0x89: {  	v9 =	vpop (erf)  }
0x8a: {  	v13 =	vmul.f32 $1.442695020e+00, v6;
	v10 =	vld.idx.msk [tilespmem:v4+s29+$0xFFFFFFD0 ss:$0x1], $0xffff;
	v8 =	vadd.f32 v9, v8;
	(erf) = vpow2.f32 v12  }
0x8b: {  	v7 =	vpop (erf)  }
0x8c: {  	v12 =	vmul.f32 $1.442695020e+00, v5;
	v9 =	vld.idx.msk [tilespmem:v4+s29+$0xFFFFFFE0 ss:$0x1], $0xffff;
	v7 =	vadd.f32 v7, v8;
	(erf) = vpow2.f32 v13  }
0x8d: {  	v6 =	vpop (erf)  }
0x8e: {  	v8 =	vmul.f32 $1.442695020e+00, v11;
	v11 =	vld.idx.msk [tilespmem:v4+s29+$0xFFFFFFF0 ss:$0x1], $0xffff;
	v7 =	vadd.f32 v6, v7;
	(erf) = vpow2.f32 v12  }
0x8f: {  	v5 =	vpop (erf)  }
0x90: {  	v10 =	vmul.f32 $1.442695020e+00, v10;
	v12 =	vld.idx.msk [tilespmem:v4+s29+$0x0 ss:$0x1], $0xffff;
	(erf) = vpow2.f32 v8;
	v5 =	vadd.f32 v5, v7  }
0x91: {  	v6 =	vpop (erf)  }
0x92: {  	v8 =	vmul.f32 $1.442695020e+00, v9;
	v7 =	vld.idx.msk [tilespmem:v4+s29+$0x10 ss:$0x1], $0xffff;
	(erf) = vpow2.f32 v10;
	v5 =	vadd.f32 v6, v5  }
.Ltmp0:
0x93: {  	v9 =	vpop (erf);
	(pc) =	sbr.rel @p0 .LBB2_3-.Ltmp0, $4  }
0x94: {  	v13 =	vmul.f32 $1.442695020e+00, v11;
	v6 =	vld.idx.msk [tilespmem:v4+s29+$0x20 ss:$0x1], $0xffff;
	(erf) = vpow2.f32 v8;
	v9 =	vadd.f32 v9, v5  }
0x95: {  	v11 =	vpop (erf)  }
0x96: {  	v8 =	vmul.f32 $1.442695020e+00, v12;
	v5 =	vld.idx.msk [tilespmem:v4+s29+$0x30 ss:$0x1], $0xffff;
	(erf) = vpow2.f32 v13;
	v9 =	vadd.f32 v11, v9  }
0x97: {  	s29 =	sshra.s32 s4, $0x2;
	s4 =	sadd.s32 $0x400, s4;
	v10 =	vpop (erf)  }
0x98: {  	_ =	sdelay $0x1  }
0x99: {  	v7 =	vmul.f32 $1.442695020e+00, v7;
	(erf) = vpow2.f32 v8;
	v8 =	vadd.f32 v10, v9  }
0x9a: {  	v10 =	vpop (erf)  }
0x9b: {  	v9 =	vld.idx.msk [tilespmem:v4+s29+$0xFFFFFFC0 ss:$0x1], $0xffff;
	v8 =	vadd.f32 v10, v8;
	(erf) = vpow2.f32 v7  }
0x9c: {  	v6 =	vmul.f32 $1.442695020e+00, v6;
	v7 =	vld.idx.msk [tilespmem:v4+s29+$0xFFFFFFD0 ss:$0x1], $0xffff;
	v10 =	vpop (erf)  }
0x9d: {  	v8 =	vadd.f32 v10, v8  }
0x9e: {  	v5 =	vmul.f32 $1.442695020e+00, v5;
	(erf) = vpow2.f32 v6;
	v6 =	vld.idx.msk [tilespmem:v4+s29+$0xFFFFFFE0 ss:$0x1], $0xffff;
	v10 =	vpop (erf)  }
0x9f: {  	v8 =	vadd.f32 v10, v8  }
0xa0: {  	v9 =	vmul.f32 $1.442695020e+00, v9;
	(erf) = vpow2.f32 v5;
	v10 =	vpop (erf)  }
0xa1: {  	v5 =	vld.idx.msk [tilespmem:v4+s29+$0xFFFFFFF0 ss:$0x1], $0xffff;
	v7 =	vmul.f32 $1.442695020e+00, v7;
	v8 =	vadd.f32 v10, v8  }
0xa2: {  	(erf) = vpow2.f32 v9;
	v10 =	vpop (erf)  }
0xa3: {  	v6 =	vmul.f32 $1.442695020e+00, v6;
	(erf) = vpow2.f32 v7;
	v7 =	vadd.f32 v10, v8  }
0xa4: {  	v10 =	vpop (erf)  }
0xa5: {  	(v2sf) =	vpush v3, $0x0;
	v9 =	vld.idx.msk [tilespmem:v4+s29+$0x0 ss:$0x1], $0xffff;
	(erf) = vpow2.f32 v6;
	v6 =	vadd.f32 v10, v7  }
0xa6: {  	v8 =	vld.idx.msk [tilespmem:v4+s29+$0x10 ss:$0x1], $0xffff;
	v5 =	vmul.f32 $1.442695020e+00, v5  }
0xa7: {  	v7 =	vld.idx.msk [tilespmem:v4+s29+$0x20 ss:$0x1], $0xffff;
	v10 =	vpop (erf)  }
0xa8: {  	(erf) = vpow2.f32 v5;
	v5 =	vadd.f32 v10, v6  }
0xa9: {  	v6 =	vpop (erf)  }
0xaa: {  	v9 =	vmul.f32 $1.442695020e+00, v9;
	v4 =	vld.idx.msk [tilespmem:v4+s29+$0x30 ss:$0x1], $0xffff;
	v5 =	vadd.f32 v6, v5  }
0xab: {  	v8 =	vmul.f32 $1.442695020e+00, v8;
	v6 =	vpop (erf)  }
0xac: {  	(erf) = vpow2.f32 v9;
	v5 =	vadd.f32 v6, v5;
	v6 =	vmul.f32 $1.442695020e+00, v7;
	_ =	sdelay $0x1  }
0xad: {  	(erf) = vpow2.f32 v8;
	v7 =	vpop (erf)  }
0xae: {  	v4 =	vmul.f32 $1.442695020e+00, v4;
	v5 =	vadd.f32 v7, v5  }
0xaf: {  	(erf) = vpow2.f32 v6;
	v6 =	vpop (erf)  }
0xb0: {  	v5 =	vadd.f32 v6, v5  }
0xb1: {  	(erf) = vpow2.f32 v4  }
0xb2: {  	v4 =	vpop (erf)  }
0xb3: {  	s4 =	spop (v2sf);
	v4 =	vadd.f32 v4, v5  }
0xb4: {  	s5 =	sand.u32 $0xF, s4;
	v5 =	vpop (erf)  }
0xb5: {  	s14 =	sshra.s32 s4, $0x1F;
	p0 =	slt.s32 s4, $0x1;
	p1 =	sne.s32 s5, $0x0;
	v4 =	vadd.f32 v5, v4  }
0xb6: {  	s15 =	sshrl.u32 s14, $0x1C;
	p0 =	por !p0, !p1;
	v5 =	vpop (erf)  }
0xb7: {  	s14 =	simm.s32 $0x1;
	s5 =	sadd.s32 s15, s4;
	p0 =	por !p0, !p0;
	v4 =	vadd.f32 v5, v4  }
0xb8: {  	s5 =	sshra.s32 s5, $0x4;
	s14 =	simm.s32 @!p0 $0x0;
	v5 =	vpop (erf)  }
0xb9: {  	s5 =	ssub.s32 s5, s14;
	v4 =	vadd.f32 v5, v4  }
0xba: {  	s14 =	sshll.u32 s5, $0x5;
	v5 =	vpop (erf)  }
0xbb: {  	s5 =	sshll.u32 s5, $0x4;
	s14 =	sand.u32 $0xFFFFFF00, s14;
	v4 =	vadd.f32 v5, v4  }
0xbc: {  	s15 =	sand.u32 $0x70, s5;
	s14 =	sadd.s32 s14, s19  }
0xbd: {  	s14 =	sadd.s32 s15, s14;
	[tilespmem:s0+$0x14000] =	vst v4  }
0xbe: {  	v5 =	vld [tilespmem:s14+$0x0];
	_ =	sdelay $0x1  }
0xbf: {  	s4 =	ssub.s32 s4, s5;
	v4 =	vmov s28  }
0xc0: {  	v6 =	vmov s4  }
0xc1: {  	vm1 =	veq.s32 v6, v0  }
0xc2: {  	v5 =	vnsel vm1, $0x0, v5  }
0xc3: {  	s28 =	simm.s32 $0x0;
	[tilespmem:s0+$0x14800] =	vst v5  }
0xc4: {  	v5 =	vld.idx.msk [tilespmem:v4+s28+$0x0 ss:$0x1], $0xffff;
	_ =	sdelay $0x1  }
0xc5: {  	v6 =	vld.idx.msk [tilespmem:v4+s28+$0x10 ss:$0x1], $0xffff;
	_ =	sdelay $0x1  }
0xc6: {  	v7 =	vld.idx.msk [tilespmem:v4+s28+$0x20 ss:$0x1], $0xffff  }
0xc7: {  	v5 =	vmul.f32 $1.442695020e+00, v5  }
0xc8: {  	v8 =	vld.idx.msk [tilespmem:v4+s28+$0x30 ss:$0x1], $0xffff  }
0xc9: {  	v6 =	vmul.f32 $1.442695020e+00, v6;
	(erf) = vpow2.f32 v5  }
0xca: {  	v5 =	vld.idx.msk [tilespmem:v4+s28+$0x40 ss:$0x1], $0xffff  }
0xcb: {  	v7 =	vmul.f32 $1.442695020e+00, v7;
	(erf) = vpow2.f32 v6;
	v6 =	vld.idx.msk [tilespmem:v4+s28+$0x50 ss:$0x1], $0xffff;
	_ =	sdelay $0x1  }
0xcc: {  	v8 =	vmul.f32 $1.442695020e+00, v8;
	(erf) = vpow2.f32 v7;
	v7 =	vld.idx.msk [tilespmem:v4+s28+$0x60 ss:$0x1], $0xffff;
	_ =	sdelay $0x1  }
0xcd: {  	v9 =	vld.idx.msk [tilespmem:v4+s28+$0x70 ss:$0x1], $0xffff;
	(erf) = vpow2.f32 v8  }
0xce: {  	v5 =	vmul.f32 $1.442695020e+00, v5;
	v6 =	vmul.f32 $1.442695020e+00, v6;
	_ =	sdelay $0x1  }
0xcf: {  	(erf) = vpow2.f32 v5;
	v5 =	vimm.f32 $0.0e+00;
	v7 =	vmul.f32 $1.442695020e+00, v7;
	v8 =	vpop (erf)  }
0xd0: {  	s29 =	simm.s32 $0x100;
	v5 =	vadd.f32 v8, v5  }
0xd1: {  	(erf) = vpow2.f32 v6;
	v6 =	vpop (erf);
	v8 =	vmul.f32 $1.442695020e+00, v9;
	v9 =	vld.idx.msk [tilespmem:v4+s29+$0x0 ss:$0x1], $0xffff  }
0xd2: {  	v5 =	vadd.f32 v6, v5  }
0xd3: {  	(erf) = vpow2.f32 v7;
	v7 =	vpop (erf);
	v6 =	vld.idx.msk [tilespmem:v4+s29+$0x10 ss:$0x1], $0xffff  }
0xd4: {  	v5 =	vadd.f32 v7, v5  }
0xd5: {  	(erf) = vpow2.f32 v8;
	v8 =	vld.idx.msk [tilespmem:v4+s29+$0x20 ss:$0x1], $0xffff;
	v7 =	vpop (erf)  }
0xd6: {  	v10 =	vld.idx.msk [tilespmem:v4+s29+$0x30 ss:$0x1], $0xffff;
	v5 =	vadd.f32 v7, v5;
	v7 =	vmul.f32 $1.442695020e+00, v9;
	_ =	sdelay $0x1  }
0xd7: {  	v6 =	vmul.f32 $1.442695020e+00, v6;
	(erf) = vpow2.f32 v7  }
0xd8: {  	v9 =	vld.idx.msk [tilespmem:v4+s29+$0x40 ss:$0x1], $0xffff;
	v11 =	vpop (erf)  }
0xd9: {  	v8 =	vmul.f32 $1.442695020e+00, v8;
	v5 =	vadd.f32 v11, v5;
	(erf) = vpow2.f32 v6  }
0xda: {  	v10 =	vmul.f32 $1.442695020e+00, v10;
	v11 =	vpop (erf);
	v7 =	vld.idx.msk [tilespmem:v4+s29+$0x50 ss:$0x1], $0xffff  }
0xdb: {  	v11 =	vadd.f32 v11, v5;
	(erf) = vpow2.f32 v8  }
0xdc: {  	v6 =	vld.idx.msk [tilespmem:v4+s29+$0x60 ss:$0x1], $0xffff;
	v12 =	vpop (erf)  }
0xdd: {  	v8 =	vmul.f32 $1.442695020e+00, v9;
	(erf) = vpow2.f32 v10;
	v9 =	vadd.f32 v12, v11  }
0xde: {  	s18 =	sadd.s32 $0x4080, s18;
	s19 =	simm.s32 $0x200;
	s4 =	simm.s32 $0xC00;
	v5 =	vld.idx.msk [tilespmem:v4+s29+$0x70 ss:$0x1], $0xffff;
	v10 =	vpop (erf)  }
.LBB2_5:
0xdf: {  	p0 =	sne.s32 s4, $0xFC00;
	v11 =	vld.idx.msk [tilespmem:v4+s19+$0x0 ss:$0x1], $0xffff;
	v12 =	vmul.f32 $1.442695020e+00, v7;
	(erf) = vpow2.f32 v8;
	v8 =	vadd.f32 v10, v9  }
0xe0: {  	v9 =	vpop (erf)  }
0xe1: {  	v13 =	vmul.f32 $1.442695020e+00, v6;
	v10 =	vld.idx.msk [tilespmem:v4+s19+$0x10 ss:$0x1], $0xffff;
	v8 =	vadd.f32 v9, v8;
	(erf) = vpow2.f32 v12  }
0xe2: {  	v7 =	vpop (erf)  }
0xe3: {  	v12 =	vmul.f32 $1.442695020e+00, v5;
	v9 =	vld.idx.msk [tilespmem:v4+s19+$0x20 ss:$0x1], $0xffff;
	v7 =	vadd.f32 v7, v8;
	(erf) = vpow2.f32 v13  }
0xe4: {  	v6 =	vpop (erf)  }
0xe5: {  	v8 =	vmul.f32 $1.442695020e+00, v11;
	v11 =	vld.idx.msk [tilespmem:v4+s19+$0x30 ss:$0x1], $0xffff;
	v7 =	vadd.f32 v6, v7;
	(erf) = vpow2.f32 v12  }
0xe6: {  	v5 =	vpop (erf)  }
0xe7: {  	v10 =	vmul.f32 $1.442695020e+00, v10;
	v12 =	vld.idx.msk [tilespmem:v4+s19+$0x40 ss:$0x1], $0xffff;
	(erf) = vpow2.f32 v8;
	v5 =	vadd.f32 v5, v7  }
0xe8: {  	v6 =	vpop (erf)  }
0xe9: {  	v8 =	vmul.f32 $1.442695020e+00, v9;
	v7 =	vld.idx.msk [tilespmem:v4+s19+$0x50 ss:$0x1], $0xffff;
	(erf) = vpow2.f32 v10;
	v5 =	vadd.f32 v6, v5  }
.Ltmp1:
0xea: {  	v9 =	vpop (erf);
	(pc) =	sbr.rel @p0 .LBB2_5-.Ltmp1, $4  }
0xeb: {  	v13 =	vmul.f32 $1.442695020e+00, v11;
	v6 =	vld.idx.msk [tilespmem:v4+s19+$0x60 ss:$0x1], $0xffff;
	(erf) = vpow2.f32 v8;
	v9 =	vadd.f32 v9, v5  }
0xec: {  	v11 =	vpop (erf)  }
0xed: {  	v8 =	vmul.f32 $1.442695020e+00, v12;
	v5 =	vld.idx.msk [tilespmem:v4+s19+$0x70 ss:$0x1], $0xffff;
	(erf) = vpow2.f32 v13;
	v9 =	vadd.f32 v11, v9  }
0xee: {  	s19 =	sshra.s32 s4, $0x2;
	s4 =	sadd.s32 $0x400, s4;
	v10 =	vpop (erf)  }
0xef: {  	_ =	sdelay $0x2  }
0xf0: {  	v7 =	vmul.f32 $1.442695020e+00, v7;
	(erf) = vpow2.f32 v8;
	v36 =	vadd.f32 v10, v9  }
0xf1: {  	v37 =	vld.idx.msk [tilespmem:v4+s19+$0x0 ss:$0x1], $0xffff;
	v38 =	vpop (erf)  }
0xf2: {  	v6 =	vmul.f32 $1.442695020e+00, v6;
	v8 =	vadd.f32 v38, v36;
	(erf) = vpow2.f32 v7  }
0xf3: {  	v39 =	vld.idx.msk [tilespmem:v4+s19+$0x10 ss:$0x1], $0xffff;
	v40 =	vpop (erf)  }
0xf4: {  	v5 =	vmul.f32 $1.442695020e+00, v5;
	(erf) = vpow2.f32 v6;
	v8 =	vadd.f32 v40, v8  }
0xf5: {  	v41 =	vld.idx.msk [tilespmem:v4+s19+$0x20 ss:$0x1], $0xffff;
	v42 =	vpop (erf)  }
0xf6: {  	v9 =	vmul.f32 $1.442695020e+00, v37;
	(erf) = vpow2.f32 v5;
	v8 =	vadd.f32 v42, v8  }
0xf7: {  	v43 =	vld.idx.msk [tilespmem:v4+s19+$0x30 ss:$0x1], $0xffff;
	v44 =	vpop (erf)  }
0xf8: {  	v7 =	vmul.f32 $1.442695020e+00, v39;
	(erf) = vpow2.f32 v9;
	v8 =	vadd.f32 v44, v8  }
0xf9: {  	v45 =	vld.idx.msk [tilespmem:v4+s19+$0x40 ss:$0x1], $0xffff;
	(v2sf) =	vpush v3, $0x1;
	v46 =	vpop (erf)  }
0xfa: {  	v3 =	vmul.f32 $1.442695020e+00, v41;
	(erf) = vpow2.f32 v7;
	v47 =	vadd.f32 v46, v8  }
0xfb: {  	v48 =	vld.idx.msk [tilespmem:v4+s19+$0x50 ss:$0x1], $0xffff;
	v49 =	vpop (erf)  }
0xfc: {  	v5 =	vmul.f32 $1.442695020e+00, v43;
	(erf) = vpow2.f32 v3;
	v3 =	vadd.f32 v49, v47  }
0xfd: {  	v50 =	vld.idx.msk [tilespmem:v4+s19+$0x60 ss:$0x1], $0xffff;
	v51 =	vpop (erf)  }
0xfe: {  	v9 =	vmul.f32 $1.442695020e+00, v45;
	(erf) = vpow2.f32 v5;
	v3 =	vadd.f32 v51, v3  }
0xff: {  	v52 =	vld.idx.msk [tilespmem:v4+s19+$0x70 ss:$0x1], $0xffff;
	v53 =	vpop (erf)  }
0x100: {  	v7 =	vmul.f32 $1.442695020e+00, v48;
	(erf) = vpow2.f32 v9;
	v3 =	vadd.f32 v53, v3  }
0x101: {  	v54 =	vpop (erf)  }
0x102: {  	v55 =	vmul.f32 $1.442695020e+00, v50;
	(erf) = vpow2.f32 v7;
	v3 =	vadd.f32 v54, v3  }
0x103: {  	v56 =	vpop (erf)  }
0x104: {  	v4 =	vmul.f32 $1.442695020e+00, v52;
	(erf) = vpow2.f32 v55;
	v3 =	vadd.f32 v56, v3  }
0x105: {  	v57 =	vpop (erf)  }
0x106: {  	(erf) = vpow2.f32 v4;
	v3 =	vadd.f32 v57, v3  }
0x107: {  	v58 =	vpop (erf)  }
0x108: {  	s4 =	spop (v2sf);
	v3 =	vadd.f32 v58, v3  }
0x109: {  	s5 =	sand.u32 $0xF, s4;
	v59 =	vpop (erf)  }
0x10a: {  	s14 =	sshra.s32 s4, $0x1F;
	p0 =	slt.s32 s4, $0x1;
	p1 =	sne.s32 s5, $0x0;
	v3 =	vadd.f32 v59, v3  }
0x10b: {  	s29 =	sshrl.u32 s14, $0x1C;
	p0 =	por !p0, !p1;
	v60 =	vpop (erf)  }
0x10c: {  	s14 =	simm.s32 $0x1;
	s5 =	sadd.s32 s29, s4;
	p0 =	por !p0, !p0;
	v3 =	vadd.f32 v60, v3  }
0x10d: {  	s5 =	sshra.s32 s5, $0x4;
	s14 =	simm.s32 @!p0 $0x0;
	v61 =	vpop (erf)  }
0x10e: {  	s5 =	ssub.s32 s5, s14;
	v3 =	vadd.f32 v61, v3  }
0x10f: {  	s14 =	sshll.u32 s5, $0x5;
	v62 =	vpop (erf)  }
0x110: {  	s5 =	sshll.u32 s5, $0x4;
	s14 =	sand.u32 $0xFFFFFF00, s14;
	v3 =	vadd.f32 v62, v3  }
0x111: {  	s15 =	sand.u32 $0x70, s5;
	s14 =	sadd.s32 s14, s18  }
0x112: {  	s14 =	sadd.s32 s15, s14;
	[tilespmem:s0+$0x14010] =	vst v3  }
0x113: {  	s2 =	sadd.s32 $0x1, s2;
	v3 =	vld [tilespmem:s14+$0x0]  }
0x114: {  	p0 =	sne.s32 s2, $0x40  }
.Ltmp2:
0x115: {  	s4 =	ssub.s32 s4, s5;
	(pc) =	sbr.rel @p0 .LBB2_2-.Ltmp2, $4  }
0x116: {  	v63 =	vmov s4  }
0x117: {  	vm1 =	veq.s32 v63, v0  }
0x118: {  	v3 =	vnsel vm1, $0x0, v3  }
0x119: {  	s31 =	sadd.s32 $0x1, s31;
	[tilespmem:s0+$0x14810] =	vst v3  }
0x11a: {  	_ =	swait.ge [sflag:s22], $0x4000  }
0x11b: {  	[sflag:s22] =	ssyncset.done $0x0  }
0x11c: {  	[sflag:s22] =	ssyncadd.s32 $0xFFFFC000  }
0x11d: {  	_ =	swait.ge [sflag:s23], $0x4000  }
0x11e: {  	[sflag:s23] =	ssyncset.done $0x0  }
0x11f: {  	[sflag:s23] =	ssyncadd.s32 $0xFFFFC000  }
0x120: {  	_ =	swait.ge [sflag:s24], $0x4000  }
0x121: {  	[sflag:s24] =	ssyncset.done $0x0  }
0x122: {  	[sflag:s24] =	ssyncadd.s32 $0xFFFFC000  }
0x123: {  	_ =	swait.ge [sflag:s25], $0x4000  }
0x124: {  	[sflag:s25] =	ssyncset.done $0x0  }
0x125: {  	s2 =	simm.s32 $0x14000;
	s0 =	rddreg [dreg:$0x6];
	[sflag:s25] =	ssyncadd.s32 $0xFFFFC000  }
0x126: {  	[hbm4b:s0+s26] =	stream.strided.scatter [tilespmem:s2], [sflag:$0x9], $0x800, s21, s26, $0x38;
	[tilespmem:$0x15000] =	vst v63  }
0x127: {  	s30 =	sadd.s32 $0x1, s30;
	_ =	swait.ge [sflag:s17], $0x800  }
0x128: {  	s31 =	simm.s32 $0x14800;
	p0 =	sne.s32 s30, s16;
	[sflag:s17] =	ssyncset.done $0x0  }
.Ltmp3:
0x129: {  	s29 =	rddreg [dreg:$0x7];
	[sflag:s17] =	ssyncadd.s32 $0xFFFFF800;
	(pc) =	sbr.rel @p0 .LBB2_1-.Ltmp3, $4  }
0x12a: {  	[hbm4b:s29+s26] =	stream.strided.scatter [tilespmem:s31], [sflag:$0x9], $0x800, s21, s26, $0x38;
	[tilespmem:$0x15000] =	vst v63  }
0x12b: {  	_ =	swait.ge [sflag:s17], $0x800  }
0x12c: {  	[sflag:s17] =	ssyncset.done $0x0  }
0x12d: {  	[sflag:s17] =	ssyncadd.s32 $0xFFFFF800  }
0x12e: {  	_ =	sfence.sel $0x180000  }
0x12f: {  	[bflag:$0x0] =	sbarrier.arrive $0xFFFF  }
0x130: {  	_ =	strace $0x90000047  }
0x131: {  	s0 =	stileid.u32;
	[bflag:$0x2] =	sbarrier.arrive $0xFFFF  }
0x132: {  	p0 =	sne.s32 s0, $0x0;
	s0 =	rddreg [dreg:$0x3]  }
0x133: {  	s0 =	sadd.s32 @!p0 $0x100000, s0  }
0x134: {  	[sflag:s0] =	ssyncadd.tile.s32 @!p0 $0x1;
	_ =	shalt  }
.Lfunc_end2:
_tile_overlayer_lowered:
.L_overlay_start_2:
0x135: {  	(tag) =	ssettag $0x2  }
0x136: {  	s0 =	rddreg [dreg:$0x0];
	s2 =	stileid.u32  }
0x137: {  	s1 =	rddreg [dreg:$0x1];
	p0 =	sne.s32 s2, $0x0  }
0x138: {  	s3 =	rddreg [dreg:$0x2];
	[bflag:$0x3] =	sbarrier.arrive $0xFFFF;
	s2 =	simm.s32 @!p0 $0x1C09  }
0x139: {  	[timem:s3], [sflag:s2] =	dma.local @!p0 [hbm:s0], s1  }
0x13a: {  	s0 =	simm.s32 @!p0 $0x9  }
0x13b: {  	_ =	swait.ge @!p0 [sflag:s0], s1  }
0x13c: {  	s1 =	ssub.s32 @!p0 $0x0, s1;
	[sflag:s0] =	ssyncset.done @!p0 $0x0  }
0x13d: {  	[sflag:s0] =	ssyncadd.s32 @!p0 s1  }
0x13e: {  	[bflag:$0x3] =	sbarrier.arrive $0xFFFF  }
0x13f: {  	_ =	shalt  }

</sc_bundles>
